<compile_context>
chip_gen: v7x
topology: tpu7x:2x2x1
jax: 0.10.2.dev20260603
libtpu: 0.0.44.dev20260713+nightly
codegen_flags: <defaults>
</compile_context>

<pallas_src>
import functools

import jax
import jax.numpy as jnp
from jax import lax
from jax.experimental import pallas as pl
from jax.experimental.pallas import tpu as pltpu
from jax.experimental.pallas import tpu_sc as plsc

L, B, T, D = 2, 16, 500, 1024
K = 1000
KP = 1024
KT = 512
BT = B * T
N = BT * L
TB = 125
NT = T // TB
PIECE = 128
NP = KT // PIECE
N4 = N * NP
CH = 128
NCHUNK = N4 // CH
BIG = 3.0e38


def _dist_kernel(x_ref, c_ref, tok_ref):
    x = x_ref[0].reshape(TB * B, D)
    c = c_ref[0]
    xc = lax.dot_general(x, c, (((1,), (1,)), ((), ())),
                         preferred_element_type=jnp.float32)
    x2 = jnp.sum(x * x, axis=1, keepdims=True)
    c2 = jnp.sum(c * c, axis=1)[None, :]
    dist = x2 - 2.0 * xc + c2
    lane = lax.broadcasted_iota(jnp.int32, dist.shape, 1)
    dist = jnp.where(lane < K, dist, BIG)
    m = jnp.min(dist, axis=1, keepdims=True)
    tok_ref[0, 0, :] = jnp.min(jnp.where(dist == m, lane, KP), axis=1)


def _proj_kernel(c_ref, w_ref, b_ref, p_ref):
    c = c_ref[0]
    w = w_ref[0]
    p = lax.dot_general(c, w, (((1,), (1,)), ((), ())),
                        preferred_element_type=jnp.float32)
    p_ref[0] = p + b_ref[0, 0][None, :]


def _tokens(ht, cpad):
    return pl.pallas_call(
        _dist_kernel,
        grid=(L, NT),
        in_specs=[pl.BlockSpec((1, TB, B, D), lambda l, i: (l, i, 0, 0)),
                  pl.BlockSpec((1, KP, D), lambda l, i: (l, 0, 0))],
        out_specs=pl.BlockSpec((1, 1, TB * B), lambda l, i: (l * NT + i, 0, 0)),
        out_shape=jax.ShapeDtypeStruct((L * NT, 1, TB * B), jnp.int32),
    )(ht, cpad)


def _proj_table(cpad, Wst, bst):
    return pl.pallas_call(
        _proj_kernel,
        grid=(L,),
        in_specs=[pl.BlockSpec((1, KP, D), lambda l: (l, 0, 0)),
                  pl.BlockSpec((1, KT, D), lambda l: (l, 0, 0)),
                  pl.BlockSpec((1, 1, KT), lambda l: (l, 0, 0))],
        out_specs=pl.BlockSpec((1, KP, KT), lambda l: (l, 0, 0)),
        out_shape=jax.ShapeDtypeStruct((L, KP, KT), jnp.float32),
    )(cpad, Wst, bst)


def _make_gather():
    info = plsc.get_sparse_core_info()
    NC, NS = info.num_cores, info.num_subcores
    NW = NC * NS
    nloop = -(-NCHUNK // NW)
    mesh = plsc.VectorSubcoreMesh(core_axis_name="c", subcore_axis_name="s")

    @functools.partial(
        pl.kernel, mesh=mesh,
        out_type=jax.ShapeDtypeStruct((N4, PIECE), jnp.float32),
        scratch_types=[
            pltpu.VMEM((CH,), jnp.int32),
            pltpu.VMEM((CH, PIECE), jnp.float32),
            pltpu.VMEM((CH, PIECE), jnp.float32),
            pltpu.SemaphoreType.DMA,
            pltpu.SemaphoreType.DMA,
        ],
    )
    def gk(table_hbm, idx_hbm, out_hbm, idx_v, rows_v0, rows_v1, gsem, wsem):
        wid = lax.axis_index("s") * NC + lax.axis_index("c")
        rows_s = (rows_v0, rows_v1)
        wbs = [None] * (nloop - 1)
        for j in range(nloop - 1):
            off = (wid + j * NW) * CH
            if j >= 2:
                wbs[j - 2].wait()
            pltpu.sync_copy(idx_hbm.at[pl.ds(off, CH)], idx_v)
            pltpu.async_copy(table_hbm.at[idx_v], rows_s[j % 2], gsem).wait()
            wbs[j] = pltpu.async_copy(
                rows_s[j % 2], out_hbm.at[pl.ds(off, CH)], wsem)
        wbs[nloop - 3].wait()
        wbs[nloop - 2].wait()

        c = wid + (nloop - 1) * NW
        @pl.when(c < NCHUNK)
        def _():
            off = c * CH
            pltpu.sync_copy(idx_hbm.at[pl.ds(off, CH)], idx_v)
            pltpu.async_copy(table_hbm.at[idx_v], rows_v0, gsem).wait()
            pltpu.sync_copy(rows_v0, out_hbm.at[pl.ds(off, CH)])

    return gk


def kernel(h, centers0, centers1, W0, b0, W1, b1):
    pad = jnp.zeros((KP - K, D), jnp.float32)
    cpad = jnp.stack([jnp.concatenate([centers0, pad], 0),
                      jnp.concatenate([centers1, pad], 0)])
    Wst = jnp.stack([W0, W1])
    bst = jnp.stack([b0, b1]).reshape(L, 1, KT)

    ht = jnp.transpose(h, (0, 2, 1, 3))
    tok3 = _tokens(ht, cpad)
    P = _proj_table(cpad, Wst, bst)

    tokens = tok3.reshape(L, T, B).transpose(2, 1, 0)
    offs = jnp.arange(L, dtype=jnp.int32) * KP
    base4 = ((tokens + offs) * NP)[:, :, None, :]
    idx4 = (base4 + jnp.arange(NP, dtype=jnp.int32)[None, None, :, None])
    idx_flat = idx4.reshape(-1)

    out = _make_gather()(P.reshape(L * KP * NP, PIECE), idx_flat)
    embs = (out.reshape(B, T, NP, L, PIECE)
            .transpose(0, 1, 3, 2, 4).reshape(B, T, L, KT))
    return tokens, embs, tokens

# --- scband reference (transcript-rebuilt; emitter-appended) ---
"""Pipeline reference for scband-discrete-ssl-esc50-7816840479208 (READ-ONLY COPY).

The authoritative reference and input builder live on the scoring server;
editing this copy changes nothing except your own understanding.
"""

import jax, jax.numpy as jnp
import numpy as np

L, B, T, D = 2, 16, 500, 1024
K = 1000
KT = 512

def setup_inputs(seed: int = 0) -> dict:
    key = jax.random.key(seed)
    k1, k2, k3, k4, k5 = jax.random.split(key, 5)
    h = jax.random.normal(k1, (L, B, T, D), dtype=jnp.float32)
    centers0 = jax.random.normal(k2, (K, D), dtype=jnp.float32)
    centers1 = jax.random.normal(k3, (K, D), dtype=jnp.float32)
    W0 = jax.random.normal(k4, (KT, D), dtype=jnp.float32) * 0.02
    b0 = jnp.zeros((KT,), dtype=jnp.float32)
    W1 = jax.random.normal(k5, (KT, D), dtype=jnp.float32) * 0.02
    b1 = jnp.zeros((KT,), dtype=jnp.float32)
    return {"h": h, "centers0": centers0, "centers1": centers1, "W0": W0, "b0": b0, "W1": W1, "b1": b1}

def reference(h, centers0, centers1, W0, b0, W1, b1):
    centers = [centers0, centers1]
    lins = [(W0, b0), (W1, b1)]
    tokens_list = []
    emb_list = []
    for l in range(L):
        x = h[l]  # [B, T, D]
        c = centers[l]  # [K, D]
        # kmeans assignment: squared euclidean distance, argmin over clusters
        x2 = jnp.sum(x * x, axis=-1, keepdims=True)  # [B, T, 1]
        c2 = jnp.sum(c * c, axis=-1)  # [K]
        xc = jnp.einsum('btd,kd->btk', x, c)  # [B, T, K]
        dist = x2 - 2.0 * xc + c2[None, None, :]
        tok = jnp.argmin(dist, axis=-1)  # [B, T] int
        emb = jnp.take(c, tok, axis=0)  # [B, T, D] cluster-center embedding lookup
        Wl, bl = lins[l]
        proj = emb @ Wl.T + bl  # [B, T, KT]
        tokens_list.append(tok)
        emb_list.append(proj)
    tokens = jnp.stack(tokens_list, axis=-1)  # [B, T, L]
    embs = jnp.stack(emb_list, axis=2)  # [B, T, L, KT]
    processed_tokens = tokens  # no dedup / bpe applied
    return tokens, embs, processed_tokens

if __name__ == "__main__":
    import jax
    _d = setup_inputs()
    print(jax.jit(kernel)(*tuple(_d.values())))

</pallas_src>

<mosaic_0001>
#map = affine_map<(d0, d1) -> (0, 0)>
#map1 = affine_map<(d0, d1) -> (0)>
module attributes {stable_mosaic.version = 14 : i64} {
  func.func @gk(%arg0: i32, %arg1: i32, %arg2: memref<8192x128xf32, #tpu.memory_space<hbm>>, %arg3: memref<64000xi32, #tpu.memory_space<hbm>>, %arg4: memref<64000x128xf32, #tpu.memory_space<hbm>>, %arg5: memref<128xi32, #tpu.memory_space<vmem>>, %arg6: memref<128x128xf32, #tpu.memory_space<vmem>>, %arg7: memref<128x128xf32, #tpu.memory_space<vmem>>, %arg8: memref<!tpu.dma_semaphore, #tpu.memory_space<semaphore_mem>>, %arg9: memref<!tpu.dma_semaphore, #tpu.memory_space<semaphore_mem>>) attributes {dimension_semantics = [#tpu.dimension_semantics<core_parallel>, #tpu.dimension_semantics<subcore_parallel>], iteration_bounds = array<i64: 2, 16>, scalar_prefetch = 0 : i64, scratch_operands = 5 : i64, tpu.core_type = #tpu.core_type<sc_vector_subcore>, window_params = [{transform_indices = #map}, {transform_indices = #map1}, {transform_indices = #map}]} {
    %mul3A = arith.constant 2 : i32
    %mul3A_0 = arith.muli %arg1, %mul3A : i32
    %add3A = arith.addi %mul3A_0, %arg0 : i32
    %add3A_1 = arith.constant 0 : i32
    %add3A_2 = arith.addi %add3A, %add3A_1 : i32
    %mul3A_3 = arith.constant 128 : i32
    %mul3A_4 = arith.muli %add3A_2, %mul3A_3 : i32
    "tpu.region"() ({
      %run_scoped3A = tpu.sem_alloc : memref<!tpu.dma_semaphore, #tpu.memory_space<semaphore_mem>>
      %dma_start3A_273 = tpu.memref_slice %arg3[%mul3A_4] : memref<64000xi32, #tpu.memory_space<hbm>> -> memref<128xi32, #tpu.memory_space<hbm>>
      %dma_start3A_274 = tpu.memref_slice %arg3[%mul3A_4] : memref<64000xi32, #tpu.memory_space<hbm>> -> memref<128xi32, #tpu.memory_space<hbm>>
      tpu.enqueue_dma source(%dma_start3A_274 : memref<128xi32, #tpu.memory_space<hbm>>) target(%arg5 : memref<128xi32, #tpu.memory_space<vmem>>) target_semaphore(%run_scoped3A : memref<!tpu.dma_semaphore, #tpu.memory_space<semaphore_mem>>)
      %dma_wait3A_275 = tpu.memref_slice %arg3[%mul3A_4] : memref<64000xi32, #tpu.memory_space<hbm>> -> memref<128xi32, #tpu.memory_space<hbm>>
      %dma_wait3A_276 = tpu.memref_slice %arg3[%mul3A_4] : memref<64000xi32, #tpu.memory_space<hbm>> -> memref<128xi32, #tpu.memory_space<hbm>>
      tpu.wait_dma2 semaphore(%run_scoped3A : memref<!tpu.dma_semaphore, #tpu.memory_space<semaphore_mem>>) src(%dma_wait3A_276 : memref<128xi32, #tpu.memory_space<hbm>>) dst(%arg5 : memref<128xi32, #tpu.memory_space<vmem>>)
      tpu.yield
    }) : () -> ()
    %dma_start3A = arith.constant 0 : i32
    %dma_start3A_5 = arith.constant 0 : i32
    %dma_start3A_6 = tpu.memref_slice %arg2[%dma_start3A, %dma_start3A_5] : memref<8192x128xf32, #tpu.memory_space<hbm>> -> memref<8192x128xf32, #tpu.memory_space<hbm>>
    tpu.enqueue_indirect_dma source(%dma_start3A_6 : memref<8192x128xf32, #tpu.memory_space<hbm>>) target(%arg6 : memref<128x128xf32, #tpu.memory_space<vmem>>) offsets(%arg5 : memref<128xi32, #tpu.memory_space<vmem>>) semaphore(%arg8 : memref<!tpu.dma_semaphore, #tpu.memory_space<semaphore_mem>>)
    %dma_wait3A = arith.constant 0 : i32
    %dma_wait3A_7 = arith.constant 0 : i32
    %dma_wait3A_8 = tpu.memref_slice %arg2[%dma_wait3A, %dma_wait3A_7] : memref<8192x128xf32, #tpu.memory_space<hbm>> -> memref<8192x128xf32, #tpu.memory_space<hbm>>
    tpu.wait_indirect_dma semaphore(%arg8 : memref<!tpu.dma_semaphore, #tpu.memory_space<semaphore_mem>>) src(%dma_wait3A_8 : memref<8192x128xf32, #tpu.memory_space<hbm>>) dst(%arg6 : memref<128x128xf32, #tpu.memory_space<vmem>>)
    %dma_start3A_9 = arith.constant 0 : i32
    %dma_start3A_10 = tpu.memref_slice %arg4[%mul3A_4, %dma_start3A_9] : memref<64000x128xf32, #tpu.memory_space<hbm>> -> memref<128x128xf32, #tpu.memory_space<hbm>>
    %dma_start3A_11 = arith.constant 0 : i32
    %dma_start3A_12 = tpu.memref_slice %arg4[%mul3A_4, %dma_start3A_11] : memref<64000x128xf32, #tpu.memory_space<hbm>> -> memref<128x128xf32, #tpu.memory_space<hbm>>
    tpu.enqueue_dma source(%arg6 : memref<128x128xf32, #tpu.memory_space<vmem>>) target(%dma_start3A_12 : memref<128x128xf32, #tpu.memory_space<hbm>>) target_semaphore(%arg9 : memref<!tpu.dma_semaphore, #tpu.memory_space<semaphore_mem>>)
    %add3A_13 = arith.constant 32 : i32
    %add3A_14 = arith.addi %add3A, %add3A_13 : i32
    %mul3A_15 = arith.constant 128 : i32
    %mul3A_16 = arith.muli %add3A_14, %mul3A_15 : i32
    "tpu.region"() ({
      %run_scoped3A = tpu.sem_alloc : memref<!tpu.dma_semaphore, #tpu.memory_space<semaphore_mem>>
      %dma_start3A_273 = tpu.memref_slice %arg3[%mul3A_16] : memref<64000xi32, #tpu.memory_space<hbm>> -> memref<128xi32, #tpu.memory_space<hbm>>
      %dma_start3A_274 = tpu.memref_slice %arg3[%mul3A_16] : memref<64000xi32, #tpu.memory_space<hbm>> -> memref<128xi32, #tpu.memory_space<hbm>>
      tpu.enqueue_dma source(%dma_start3A_274 : memref<128xi32, #tpu.memory_space<hbm>>) target(%arg5 : memref<128xi32, #tpu.memory_space<vmem>>) target_semaphore(%run_scoped3A : memref<!tpu.dma_semaphore, #tpu.memory_space<semaphore_mem>>)
      %dma_wait3A_275 = tpu.memref_slice %arg3[%mul3A_16] : memref<64000xi32, #tpu.memory_space<hbm>> -> memref<128xi32, #tpu.memory_space<hbm>>
      %dma_wait3A_276 = tpu.memref_slice %arg3[%mul3A_16] : memref<64000xi32, #tpu.memory_space<hbm>> -> memref<128xi32, #tpu.memory_space<hbm>>
      tpu.wait_dma2 semaphore(%run_scoped3A : memref<!tpu.dma_semaphore, #tpu.memory_space<semaphore_mem>>) src(%dma_wait3A_276 : memref<128xi32, #tpu.memory_space<hbm>>) dst(%arg5 : memref<128xi32, #tpu.memory_space<vmem>>)
      tpu.yield
    }) : () -> ()
    %dma_start3A_17 = arith.constant 0 : i32
    %dma_start3A_18 = arith.constant 0 : i32
    %dma_start3A_19 = tpu.memref_slice %arg2[%dma_start3A_17, %dma_start3A_18] : memref<8192x128xf32, #tpu.memory_space<hbm>> -> memref<8192x128xf32, #tpu.memory_space<hbm>>
    tpu.enqueue_indirect_dma source(%dma_start3A_19 : memref<8192x128xf32, #tpu.memory_space<hbm>>) target(%arg7 : memref<128x128xf32, #tpu.memory_space<vmem>>) offsets(%arg5 : memref<128xi32, #tpu.memory_space<vmem>>) semaphore(%arg8 : memref<!tpu.dma_semaphore, #tpu.memory_space<semaphore_mem>>)
    %dma_wait3A_20 = arith.constant 0 : i32
    %dma_wait3A_21 = arith.constant 0 : i32
    %dma_wait3A_22 = tpu.memref_slice %arg2[%dma_wait3A_20, %dma_wait3A_21] : memref<8192x128xf32, #tpu.memory_space<hbm>> -> memref<8192x128xf32, #tpu.memory_space<hbm>>
    tpu.wait_indirect_dma semaphore(%arg8 : memref<!tpu.dma_semaphore, #tpu.memory_space<semaphore_mem>>) src(%dma_wait3A_22 : memref<8192x128xf32, #tpu.memory_space<hbm>>) dst(%arg7 : memref<128x128xf32, #tpu.memory_space<vmem>>)
    %dma_start3A_23 = arith.constant 0 : i32
    %dma_start3A_24 = tpu.memref_slice %arg4[%mul3A_16, %dma_start3A_23] : memref<64000x128xf32, #tpu.memory_space<hbm>> -> memref<128x128xf32, #tpu.memory_space<hbm>>
    %dma_start3A_25 = arith.constant 0 : i32
    %dma_start3A_26 = tpu.memref_slice %arg4[%mul3A_16, %dma_start3A_25] : memref<64000x128xf32, #tpu.memory_space<hbm>> -> memref<128x128xf32, #tpu.memory_space<hbm>>
    tpu.enqueue_dma source(%arg7 : memref<128x128xf32, #tpu.memory_space<vmem>>) target(%dma_start3A_26 : memref<128x128xf32, #tpu.memory_space<hbm>>) target_semaphore(%arg9 : memref<!tpu.dma_semaphore, #tpu.memory_space<semaphore_mem>>)
    %add3A_27 = arith.constant 64 : i32
    %add3A_28 = arith.addi %add3A, %add3A_27 : i32
    %mul3A_29 = arith.constant 128 : i32
    %mul3A_30 = arith.muli %add3A_28, %mul3A_29 : i32
    %dma_wait3A_31 = arith.constant 0 : i32
    %dma_wait3A_32 = tpu.memref_slice %arg4[%mul3A_4, %dma_wait3A_31] : memref<64000x128xf32, #tpu.memory_space<hbm>> -> memref<128x128xf32, #tpu.memory_space<hbm>>
    %dma_wait3A_33 = arith.constant 0 : i32
    %dma_wait3A_34 = tpu.memref_slice %arg4[%mul3A_4, %dma_wait3A_33] : memref<64000x128xf32, #tpu.memory_space<hbm>> -> memref<128x128xf32, #tpu.memory_space<hbm>>
    tpu.wait_dma2 semaphore(%arg9 : memref<!tpu.dma_semaphore, #tpu.memory_space<semaphore_mem>>) src(%arg6 : memref<128x128xf32, #tpu.memory_space<vmem>>) dst(%dma_wait3A_34 : memref<128x128xf32, #tpu.memory_space<hbm>>)
    "tpu.region"() ({
      %run_scoped3A = tpu.sem_alloc : memref<!tpu.dma_semaphore, #tpu.memory_space<semaphore_mem>>
      %dma_start3A_273 = tpu.memref_slice %arg3[%mul3A_30] : memref<64000xi32, #tpu.memory_space<hbm>> -> memref<128xi32, #tpu.memory_space<hbm>>
      %dma_start3A_274 = tpu.memref_slice %arg3[%mul3A_30] : memref<64000xi32, #tpu.memory_space<hbm>> -> memref<128xi32, #tpu.memory_space<hbm>>
      tpu.enqueue_dma source(%dma_start3A_274 : memref<128xi32, #tpu.memory_space<hbm>>) target(%arg5 : memref<128xi32, #tpu.memory_space<vmem>>) target_semaphore(%run_scoped3A : memref<!tpu.dma_semaphore, #tpu.memory_space<semaphore_mem>>)
      %dma_wait3A_275 = tpu.memref_slice %arg3[%mul3A_30] : memref<64000xi32, #tpu.memory_space<hbm>> -> memref<128xi32, #tpu.memory_space<hbm>>
      %dma_wait3A_276 = tpu.memref_slice %arg3[%mul3A_30] : memref<64000xi32, #tpu.memory_space<hbm>> -> memref<128xi32, #tpu.memory_space<hbm>>
      tpu.wait_dma2 semaphore(%run_scoped3A : memref<!tpu.dma_semaphore, #tpu.memory_space<semaphore_mem>>) src(%dma_wait3A_276 : memref<128xi32, #tpu.memory_space<hbm>>) dst(%arg5 : memref<128xi32, #tpu.memory_space<vmem>>)
      tpu.yield
    }) : () -> ()
    %dma_start3A_35 = arith.constant 0 : i32
    %dma_start3A_36 = arith.constant 0 : i32
    %dma_start3A_37 = tpu.memref_slice %arg2[%dma_start3A_35, %dma_start3A_36] : memref<8192x128xf32, #tpu.memory_space<hbm>> -> memref<8192x128xf32, #tpu.memory_space<hbm>>
    tpu.enqueue_indirect_dma source(%dma_start3A_37 : memref<8192x128xf32, #tpu.memory_space<hbm>>) target(%arg6 : memref<128x128xf32, #tpu.memory_space<vmem>>) offsets(%arg5 : memref<128xi32, #tpu.memory_space<vmem>>) semaphore(%arg8 : memref<!tpu.dma_semaphore, #tpu.memory_space<semaphore_mem>>)
    %dma_wait3A_38 = arith.constant 0 : i32
    %dma_wait3A_39 = arith.constant 0 : i32
    %dma_wait3A_40 = tpu.memref_slice %arg2[%dma_wait3A_38, %dma_wait3A_39] : memref<8192x128xf32, #tpu.memory_space<hbm>> -> memref<8192x128xf32, #tpu.memory_space<hbm>>
    tpu.wait_indirect_dma semaphore(%arg8 : memref<!tpu.dma_semaphore, #tpu.memory_space<semaphore_mem>>) src(%dma_wait3A_40 : memref<8192x128xf32, #tpu.memory_space<hbm>>) dst(%arg6 : memref<128x128xf32, #tpu.memory_space<vmem>>)
    %dma_start3A_41 = arith.constant 0 : i32
    %dma_start3A_42 = tpu.memref_slice %arg4[%mul3A_30, %dma_start3A_41] : memref<64000x128xf32, #tpu.memory_space<hbm>> -> memref<128x128xf32, #tpu.memory_space<hbm>>
    %dma_start3A_43 = arith.constant 0 : i32
    %dma_start3A_44 = tpu.memref_slice %arg4[%mul3A_30, %dma_start3A_43] : memref<64000x128xf32, #tpu.memory_space<hbm>> -> memref<128x128xf32, #tpu.memory_space<hbm>>
    tpu.enqueue_dma source(%arg6 : memref<128x128xf32, #tpu.memory_space<vmem>>) target(%dma_start3A_44 : memref<128x128xf32, #tpu.memory_space<hbm>>) target_semaphore(%arg9 : memref<!tpu.dma_semaphore, #tpu.memory_space<semaphore_mem>>)
    %add3A_45 = arith.constant 96 : i32
    %add3A_46 = arith.addi %add3A, %add3A_45 : i32
    %mul3A_47 = arith.constant 128 : i32
    %mul3A_48 = arith.muli %add3A_46, %mul3A_47 : i32
    %dma_wait3A_49 = arith.constant 0 : i32
    %dma_wait3A_50 = tpu.memref_slice %arg4[%mul3A_16, %dma_wait3A_49] : memref<64000x128xf32, #tpu.memory_space<hbm>> -> memref<128x128xf32, #tpu.memory_space<hbm>>
    %dma_wait3A_51 = arith.constant 0 : i32
    %dma_wait3A_52 = tpu.memref_slice %arg4[%mul3A_16, %dma_wait3A_51] : memref<64000x128xf32, #tpu.memory_space<hbm>> -> memref<128x128xf32, #tpu.memory_space<hbm>>
    tpu.wait_dma2 semaphore(%arg9 : memref<!tpu.dma_semaphore, #tpu.memory_space<semaphore_mem>>) src(%arg7 : memref<128x128xf32, #tpu.memory_space<vmem>>) dst(%dma_wait3A_52 : memref<128x128xf32, #tpu.memory_space<hbm>>)
    "tpu.region"() ({
      %run_scoped3A = tpu.sem_alloc : memref<!tpu.dma_semaphore, #tpu.memory_space<semaphore_mem>>
      %dma_start3A_273 = tpu.memref_slice %arg3[%mul3A_48] : memref<64000xi32, #tpu.memory_space<hbm>> -> memref<128xi32, #tpu.memory_space<hbm>>
      %dma_start3A_274 = tpu.memref_slice %arg3[%mul3A_48] : memref<64000xi32, #tpu.memory_space<hbm>> -> memref<128xi32, #tpu.memory_space<hbm>>
      tpu.enqueue_dma source(%dma_start3A_274 : memref<128xi32, #tpu.memory_space<hbm>>) target(%arg5 : memref<128xi32, #tpu.memory_space<vmem>>) target_semaphore(%run_scoped3A : memref<!tpu.dma_semaphore, #tpu.memory_space<semaphore_mem>>)
      %dma_wait3A_275 = tpu.memref_slice %arg3[%mul3A_48] : memref<64000xi32, #tpu.memory_space<hbm>> -> memref<128xi32, #tpu.memory_space<hbm>>
      %dma_wait3A_276 = tpu.memref_slice %arg3[%mul3A_48] : memref<64000xi32, #tpu.memory_space<hbm>> -> memref<128xi32, #tpu.memory_space<hbm>>
      tpu.wait_dma2 semaphore(%run_scoped3A : memref<!tpu.dma_semaphore, #tpu.memory_space<semaphore_mem>>) src(%dma_wait3A_276 : memref<128xi32, #tpu.memory_space<hbm>>) dst(%arg5 : memref<128xi32, #tpu.memory_space<vmem>>)
      tpu.yield
    }) : () -> ()
    %dma_start3A_53 = arith.constant 0 : i32
    %dma_start3A_54 = arith.constant 0 : i32
    %dma_start3A_55 = tpu.memref_slice %arg2[%dma_start3A_53, %dma_start3A_54] : memref<8192x128xf32, #tpu.memory_space<hbm>> -> memref<8192x128xf32, #tpu.memory_space<hbm>>
    tpu.enqueue_indirect_dma source(%dma_start3A_55 : memref<8192x128xf32, #tpu.memory_space<hbm>>) target(%arg7 : memref<128x128xf32, #tpu.memory_space<vmem>>) offsets(%arg5 : memref<128xi32, #tpu.memory_space<vmem>>) semaphore(%arg8 : memref<!tpu.dma_semaphore, #tpu.memory_space<semaphore_mem>>)
    %dma_wait3A_56 = arith.constant 0 : i32
    %dma_wait3A_57 = arith.constant 0 : i32
    %dma_wait3A_58 = tpu.memref_slice %arg2[%dma_wait3A_56, %dma_wait3A_57] : memref<8192x128xf32, #tpu.memory_space<hbm>> -> memref<8192x128xf32, #tpu.memory_space<hbm>>
    tpu.wait_indirect_dma semaphore(%arg8 : memref<!tpu.dma_semaphore, #tpu.memory_space<semaphore_mem>>) src(%dma_wait3A_58 : memref<8192x128xf32, #tpu.memory_space<hbm>>) dst(%arg7 : memref<128x128xf32, #tpu.memory_space<vmem>>)
    %dma_start3A_59 = arith.constant 0 : i32
    %dma_start3A_60 = tpu.memref_slice %arg4[%mul3A_48, %dma_start3A_59] : memref<64000x128xf32, #tpu.memory_space<hbm>> -> memref<128x128xf32, #tpu.memory_space<hbm>>
    %dma_start3A_61 = arith.constant 0 : i32
    %dma_start3A_62 = tpu.memref_slice %arg4[%mul3A_48, %dma_start3A_61] : memref<64000x128xf32, #tpu.memory_space<hbm>> -> memref<128x128xf32, #tpu.memory_space<hbm>>
    tpu.enqueue_dma source(%arg7 : memref<128x128xf32, #tpu.memory_space<vmem>>) target(%dma_start3A_62 : memref<128x128xf32, #tpu.memory_space<hbm>>) target_semaphore(%arg9 : memref<!tpu.dma_semaphore, #tpu.memory_space<semaphore_mem>>)
    %add3A_63 = arith.constant 128 : i32
    %add3A_64 = arith.addi %add3A, %add3A_63 : i32
    %mul3A_65 = arith.constant 128 : i32
    %mul3A_66 = arith.muli %add3A_64, %mul3A_65 : i32
    %dma_wait3A_67 = arith.constant 0 : i32
    %dma_wait3A_68 = tpu.memref_slice %arg4[%mul3A_30, %dma_wait3A_67] : memref<64000x128xf32, #tpu.memory_space<hbm>> -> memref<128x128xf32, #tpu.memory_space<hbm>>
    %dma_wait3A_69 = arith.constant 0 : i32
    %dma_wait3A_70 = tpu.memref_slice %arg4[%mul3A_30, %dma_wait3A_69] : memref<64000x128xf32, #tpu.memory_space<hbm>> -> memref<128x128xf32, #tpu.memory_space<hbm>>
    tpu.wait_dma2 semaphore(%arg9 : memref<!tpu.dma_semaphore, #tpu.memory_space<semaphore_mem>>) src(%arg6 : memref<128x128xf32, #tpu.memory_space<vmem>>) dst(%dma_wait3A_70 : memref<128x128xf32, #tpu.memory_space<hbm>>)
    "tpu.region"() ({
      %run_scoped3A = tpu.sem_alloc : memref<!tpu.dma_semaphore, #tpu.memory_space<semaphore_mem>>
      %dma_start3A_273 = tpu.memref_slice %arg3[%mul3A_66] : memref<64000xi32, #tpu.memory_space<hbm>> -> memref<128xi32, #tpu.memory_space<hbm>>
      %dma_start3A_274 = tpu.memref_slice %arg3[%mul3A_66] : memref<64000xi32, #tpu.memory_space<hbm>> -> memref<128xi32, #tpu.memory_space<hbm>>
      tpu.enqueue_dma source(%dma_start3A_274 : memref<128xi32, #tpu.memory_space<hbm>>) target(%arg5 : memref<128xi32, #tpu.memory_space<vmem>>) target_semaphore(%run_scoped3A : memref<!tpu.dma_semaphore, #tpu.memory_space<semaphore_mem>>)
      %dma_wait3A_275 = tpu.memref_slice %arg3[%mul3A_66] : memref<64000xi32, #tpu.memory_space<hbm>> -> memref<128xi32, #tpu.memory_space<hbm>>
      %dma_wait3A_276 = tpu.memref_slice %arg3[%mul3A_66] : memref<64000xi32, #tpu.memory_space<hbm>> -> memref<128xi32, #tpu.memory_space<hbm>>
      tpu.wait_dma2 semaphore(%run_scoped3A : memref<!tpu.dma_semaphore, #tpu.memory_space<semaphore_mem>>) src(%dma_wait3A_276 : memref<128xi32, #tpu.memory_space<hbm>>) dst(%arg5 : memref<128xi32, #tpu.memory_space<vmem>>)
      tpu.yield
    }) : () -> ()
    %dma_start3A_71 = arith.constant 0 : i32
    %dma_start3A_72 = arith.constant 0 : i32
    %dma_start3A_73 = tpu.memref_slice %arg2[%dma_start3A_71, %dma_start3A_72] : memref<8192x128xf32, #tpu.memory_space<hbm>> -> memref<8192x128xf32, #tpu.memory_space<hbm>>
    tpu.enqueue_indirect_dma source(%dma_start3A_73 : memref<8192x128xf32, #tpu.memory_space<hbm>>) target(%arg6 : memref<128x128xf32, #tpu.memory_space<vmem>>) offsets(%arg5 : memref<128xi32, #tpu.memory_space<vmem>>) semaphore(%arg8 : memref<!tpu.dma_semaphore, #tpu.memory_space<semaphore_mem>>)
    %dma_wait3A_74 = arith.constant 0 : i32
    %dma_wait3A_75 = arith.constant 0 : i32
    %dma_wait3A_76 = tpu.memref_slice %arg2[%dma_wait3A_74, %dma_wait3A_75] : memref<8192x128xf32, #tpu.memory_space<hbm>> -> memref<8192x128xf32, #tpu.memory_space<hbm>>
    tpu.wait_indirect_dma semaphore(%arg8 : memref<!tpu.dma_semaphore, #tpu.memory_space<semaphore_mem>>) src(%dma_wait3A_76 : memref<8192x128xf32, #tpu.memory_space<hbm>>) dst(%arg6 : memref<128x128xf32, #tpu.memory_space<vmem>>)
    %dma_start3A_77 = arith.constant 0 : i32
    %dma_start3A_78 = tpu.memref_slice %arg4[%mul3A_66, %dma_start3A_77] : memref<64000x128xf32, #tpu.memory_space<hbm>> -> memref<128x128xf32, #tpu.memory_space<hbm>>
    %dma_start3A_79 = arith.constant 0 : i32
    %dma_start3A_80 = tpu.memref_slice %arg4[%mul3A_66, %dma_start3A_79] : memref<64000x128xf32, #tpu.memory_space<hbm>> -> memref<128x128xf32, #tpu.memory_space<hbm>>
    tpu.enqueue_dma source(%arg6 : memref<128x128xf32, #tpu.memory_space<vmem>>) target(%dma_start3A_80 : memref<128x128xf32, #tpu.memory_space<hbm>>) target_semaphore(%arg9 : memref<!tpu.dma_semaphore, #tpu.memory_space<semaphore_mem>>)
    %add3A_81 = arith.constant 160 : i32
    %add3A_82 = arith.addi %add3A, %add3A_81 : i32
    %mul3A_83 = arith.constant 128 : i32
    %mul3A_84 = arith.muli %add3A_82, %mul3A_83 : i32
    %dma_wait3A_85 = arith.constant 0 : i32
    %dma_wait3A_86 = tpu.memref_slice %arg4[%mul3A_48, %dma_wait3A_85] : memref<64000x128xf32, #tpu.memory_space<hbm>> -> memref<128x128xf32, #tpu.memory_space<hbm>>
    %dma_wait3A_87 = arith.constant 0 : i32
    %dma_wait3A_88 = tpu.memref_slice %arg4[%mul3A_48, %dma_wait3A_87] : memref<64000x128xf32, #tpu.memory_space<hbm>> -> memref<128x128xf32, #tpu.memory_space<hbm>>
    tpu.wait_dma2 semaphore(%arg9 : memref<!tpu.dma_semaphore, #tpu.memory_space<semaphore_mem>>) src(%arg7 : memref<128x128xf32, #tpu.memory_space<vmem>>) dst(%dma_wait3A_88 : memref<128x128xf32, #tpu.memory_space<hbm>>)
    "tpu.region"() ({
      %run_scoped3A = tpu.sem_alloc : memref<!tpu.dma_semaphore, #tpu.memory_space<semaphore_mem>>
      %dma_start3A_273 = tpu.memref_slice %arg3[%mul3A_84] : memref<64000xi32, #tpu.memory_space<hbm>> -> memref<128xi32, #tpu.memory_space<hbm>>
      %dma_start3A_274 = tpu.memref_slice %arg3[%mul3A_84] : memref<64000xi32, #tpu.memory_space<hbm>> -> memref<128xi32, #tpu.memory_space<hbm>>
      tpu.enqueue_dma source(%dma_start3A_274 : memref<128xi32, #tpu.memory_space<hbm>>) target(%arg5 : memref<128xi32, #tpu.memory_space<vmem>>) target_semaphore(%run_scoped3A : memref<!tpu.dma_semaphore, #tpu.memory_space<semaphore_mem>>)
      %dma_wait3A_275 = tpu.memref_slice %arg3[%mul3A_84] : memref<64000xi32, #tpu.memory_space<hbm>> -> memref<128xi32, #tpu.memory_space<hbm>>
      %dma_wait3A_276 = tpu.memref_slice %arg3[%mul3A_84] : memref<64000xi32, #tpu.memory_space<hbm>> -> memref<128xi32, #tpu.memory_space<hbm>>
      tpu.wait_dma2 semaphore(%run_scoped3A : memref<!tpu.dma_semaphore, #tpu.memory_space<semaphore_mem>>) src(%dma_wait3A_276 : memref<128xi32, #tpu.memory_space<hbm>>) dst(%arg5 : memref<128xi32, #tpu.memory_space<vmem>>)
      tpu.yield
    }) : () -> ()
    %dma_start3A_89 = arith.constant 0 : i32
    %dma_start3A_90 = arith.constant 0 : i32
    %dma_start3A_91 = tpu.memref_slice %arg2[%dma_start3A_89, %dma_start3A_90] : memref<8192x128xf32, #tpu.memory_space<hbm>> -> memref<8192x128xf32, #tpu.memory_space<hbm>>
    tpu.enqueue_indirect_dma source(%dma_start3A_91 : memref<8192x128xf32, #tpu.memory_space<hbm>>) target(%arg7 : memref<128x128xf32, #tpu.memory_space<vmem>>) offsets(%arg5 : memref<128xi32, #tpu.memory_space<vmem>>) semaphore(%arg8 : memref<!tpu.dma_semaphore, #tpu.memory_space<semaphore_mem>>)
    %dma_wait3A_92 = arith.constant 0 : i32
    %dma_wait3A_93 = arith.constant 0 : i32
    %dma_wait3A_94 = tpu.memref_slice %arg2[%dma_wait3A_92, %dma_wait3A_93] : memref<8192x128xf32, #tpu.memory_space<hbm>> -> memref<8192x128xf32, #tpu.memory_space<hbm>>
    tpu.wait_indirect_dma semaphore(%arg8 : memref<!tpu.dma_semaphore, #tpu.memory_space<semaphore_mem>>) src(%dma_wait3A_94 : memref<8192x128xf32, #tpu.memory_space<hbm>>) dst(%arg7 : memref<128x128xf32, #tpu.memory_space<vmem>>)
    %dma_start3A_95 = arith.constant 0 : i32
    %dma_start3A_96 = tpu.memref_slice %arg4[%mul3A_84, %dma_start3A_95] : memref<64000x128xf32, #tpu.memory_space<hbm>> -> memref<128x128xf32, #tpu.memory_space<hbm>>
    %dma_start3A_97 = arith.constant 0 : i32
    %dma_start3A_98 = tpu.memref_slice %arg4[%mul3A_84, %dma_start3A_97] : memref<64000x128xf32, #tpu.memory_space<hbm>> -> memref<128x128xf32, #tpu.memory_space<hbm>>
    tpu.enqueue_dma source(%arg7 : memref<128x128xf32, #tpu.memory_space<vmem>>) target(%dma_start3A_98 : memref<128x128xf32, #tpu.memory_space<hbm>>) target_semaphore(%arg9 : memref<!tpu.dma_semaphore, #tpu.memory_space<semaphore_mem>>)
    %add3A_99 = arith.constant 192 : i32
    %add3A_100 = arith.addi %add3A, %add3A_99 : i32
    %mul3A_101 = arith.constant 128 : i32
    %mul3A_102 = arith.muli %add3A_100, %mul3A_101 : i32
    %dma_wait3A_103 = arith.constant 0 : i32
    %dma_wait3A_104 = tpu.memref_slice %arg4[%mul3A_66, %dma_wait3A_103] : memref<64000x128xf32, #tpu.memory_space<hbm>> -> memref<128x128xf32, #tpu.memory_space<hbm>>
    %dma_wait3A_105 = arith.constant 0 : i32
    %dma_wait3A_106 = tpu.memref_slice %arg4[%mul3A_66, %dma_wait3A_105] : memref<64000x128xf32, #tpu.memory_space<hbm>> -> memref<128x128xf32, #tpu.memory_space<hbm>>
    tpu.wait_dma2 semaphore(%arg9 : memref<!tpu.dma_semaphore, #tpu.memory_space<semaphore_mem>>) src(%arg6 : memref<128x128xf32, #tpu.memory_space<vmem>>) dst(%dma_wait3A_106 : memref<128x128xf32, #tpu.memory_space<hbm>>)
    "tpu.region"() ({
      %run_scoped3A = tpu.sem_alloc : memref<!tpu.dma_semaphore, #tpu.memory_space<semaphore_mem>>
      %dma_start3A_273 = tpu.memref_slice %arg3[%mul3A_102] : memref<64000xi32, #tpu.memory_space<hbm>> -> memref<128xi32, #tpu.memory_space<hbm>>
      %dma_start3A_274 = tpu.memref_slice %arg3[%mul3A_102] : memref<64000xi32, #tpu.memory_space<hbm>> -> memref<128xi32, #tpu.memory_space<hbm>>
      tpu.enqueue_dma source(%dma_start3A_274 : memref<128xi32, #tpu.memory_space<hbm>>) target(%arg5 : memref<128xi32, #tpu.memory_space<vmem>>) target_semaphore(%run_scoped3A : memref<!tpu.dma_semaphore, #tpu.memory_space<semaphore_mem>>)
      %dma_wait3A_275 = tpu.memref_slice %arg3[%mul3A_102] : memref<64000xi32, #tpu.memory_space<hbm>> -> memref<128xi32, #tpu.memory_space<hbm>>
      %dma_wait3A_276 = tpu.memref_slice %arg3[%mul3A_102] : memref<64000xi32, #tpu.memory_space<hbm>> -> memref<128xi32, #tpu.memory_space<hbm>>
      tpu.wait_dma2 semaphore(%run_scoped3A : memref<!tpu.dma_semaphore, #tpu.memory_space<semaphore_mem>>) src(%dma_wait3A_276 : memref<128xi32, #tpu.memory_space<hbm>>) dst(%arg5 : memref<128xi32, #tpu.memory_space<vmem>>)
      tpu.yield
    }) : () -> ()
    %dma_start3A_107 = arith.constant 0 : i32
    %dma_start3A_108 = arith.constant 0 : i32
    %dma_start3A_109 = tpu.memref_slice %arg2[%dma_start3A_107, %dma_start3A_108] : memref<8192x128xf32, #tpu.memory_space<hbm>> -> memref<8192x128xf32, #tpu.memory_space<hbm>>
    tpu.enqueue_indirect_dma source(%dma_start3A_109 : memref<8192x128xf32, #tpu.memory_space<hbm>>) target(%arg6 : memref<128x128xf32, #tpu.memory_space<vmem>>) offsets(%arg5 : memref<128xi32, #tpu.memory_space<vmem>>) semaphore(%arg8 : memref<!tpu.dma_semaphore, #tpu.memory_space<semaphore_mem>>)
    %dma_wait3A_110 = arith.constant 0 : i32
    %dma_wait3A_111 = arith.constant 0 : i32
    %dma_wait3A_112 = tpu.memref_slice %arg2[%dma_wait3A_110, %dma_wait3A_111] : memref<8192x128xf32, #tpu.memory_space<hbm>> -> memref<8192x128xf32, #tpu.memory_space<hbm>>
    tpu.wait_indirect_dma semaphore(%arg8 : memref<!tpu.dma_semaphore, #tpu.memory_space<semaphore_mem>>) src(%dma_wait3A_112 : memref<8192x128xf32, #tpu.memory_space<hbm>>) dst(%arg6 : memref<128x128xf32, #tpu.memory_space<vmem>>)
    %dma_start3A_113 = arith.constant 0 : i32
    %dma_start3A_114 = tpu.memref_slice %arg4[%mul3A_102, %dma_start3A_113] : memref<64000x128xf32, #tpu.memory_space<hbm>> -> memref<128x128xf32, #tpu.memory_space<hbm>>
    %dma_start3A_115 = arith.constant 0 : i32
    %dma_start3A_116 = tpu.memref_slice %arg4[%mul3A_102, %dma_start3A_115] : memref<64000x128xf32, #tpu.memory_space<hbm>> -> memref<128x128xf32, #tpu.memory_space<hbm>>
    tpu.enqueue_dma source(%arg6 : memref<128x128xf32, #tpu.memory_space<vmem>>) target(%dma_start3A_116 : memref<128x128xf32, #tpu.memory_space<hbm>>) target_semaphore(%arg9 : memref<!tpu.dma_semaphore, #tpu.memory_space<semaphore_mem>>)
    %add3A_117 = arith.constant 224 : i32
    %add3A_118 = arith.addi %add3A, %add3A_117 : i32
    %mul3A_119 = arith.constant 128 : i32
    %mul3A_120 = arith.muli %add3A_118, %mul3A_119 : i32
    %dma_wait3A_121 = arith.constant 0 : i32
    %dma_wait3A_122 = tpu.memref_slice %arg4[%mul3A_84, %dma_wait3A_121] : memref<64000x128xf32, #tpu.memory_space<hbm>> -> memref<128x128xf32, #tpu.memory_space<hbm>>
    %dma_wait3A_123 = arith.constant 0 : i32
    %dma_wait3A_124 = tpu.memref_slice %arg4[%mul3A_84, %dma_wait3A_123] : memref<64000x128xf32, #tpu.memory_space<hbm>> -> memref<128x128xf32, #tpu.memory_space<hbm>>
    tpu.wait_dma2 semaphore(%arg9 : memref<!tpu.dma_semaphore, #tpu.memory_space<semaphore_mem>>) src(%arg7 : memref<128x128xf32, #tpu.memory_space<vmem>>) dst(%dma_wait3A_124 : memref<128x128xf32, #tpu.memory_space<hbm>>)
    "tpu.region"() ({
      %run_scoped3A = tpu.sem_alloc : memref<!tpu.dma_semaphore, #tpu.memory_space<semaphore_mem>>
      %dma_start3A_273 = tpu.memref_slice %arg3[%mul3A_120] : memref<64000xi32, #tpu.memory_space<hbm>> -> memref<128xi32, #tpu.memory_space<hbm>>
      %dma_start3A_274 = tpu.memref_slice %arg3[%mul3A_120] : memref<64000xi32, #tpu.memory_space<hbm>> -> memref<128xi32, #tpu.memory_space<hbm>>
      tpu.enqueue_dma source(%dma_start3A_274 : memref<128xi32, #tpu.memory_space<hbm>>) target(%arg5 : memref<128xi32, #tpu.memory_space<vmem>>) target_semaphore(%run_scoped3A : memref<!tpu.dma_semaphore, #tpu.memory_space<semaphore_mem>>)
      %dma_wait3A_275 = tpu.memref_slice %arg3[%mul3A_120] : memref<64000xi32, #tpu.memory_space<hbm>> -> memref<128xi32, #tpu.memory_space<hbm>>
      %dma_wait3A_276 = tpu.memref_slice %arg3[%mul3A_120] : memref<64000xi32, #tpu.memory_space<hbm>> -> memref<128xi32, #tpu.memory_space<hbm>>
      tpu.wait_dma2 semaphore(%run_scoped3A : memref<!tpu.dma_semaphore, #tpu.memory_space<semaphore_mem>>) src(%dma_wait3A_276 : memref<128xi32, #tpu.memory_space<hbm>>) dst(%arg5 : memref<128xi32, #tpu.memory_space<vmem>>)
      tpu.yield
    }) : () -> ()
    %dma_start3A_125 = arith.constant 0 : i32
    %dma_start3A_126 = arith.constant 0 : i32
    %dma_start3A_127 = tpu.memref_slice %arg2[%dma_start3A_125, %dma_start3A_126] : memref<8192x128xf32, #tpu.memory_space<hbm>> -> memref<8192x128xf32, #tpu.memory_space<hbm>>
    tpu.enqueue_indirect_dma source(%dma_start3A_127 : memref<8192x128xf32, #tpu.memory_space<hbm>>) target(%arg7 : memref<128x128xf32, #tpu.memory_space<vmem>>) offsets(%arg5 : memref<128xi32, #tpu.memory_space<vmem>>) semaphore(%arg8 : memref<!tpu.dma_semaphore, #tpu.memory_space<semaphore_mem>>)
    %dma_wait3A_128 = arith.constant 0 : i32
    %dma_wait3A_129 = arith.constant 0 : i32
    %dma_wait3A_130 = tpu.memref_slice %arg2[%dma_wait3A_128, %dma_wait3A_129] : memref<8192x128xf32, #tpu.memory_space<hbm>> -> memref<8192x128xf32, #tpu.memory_space<hbm>>
    tpu.wait_indirect_dma semaphore(%arg8 : memref<!tpu.dma_semaphore, #tpu.memory_space<semaphore_mem>>) src(%dma_wait3A_130 : memref<8192x128xf32, #tpu.memory_space<hbm>>) dst(%arg7 : memref<128x128xf32, #tpu.memory_space<vmem>>)
    %dma_start3A_131 = arith.constant 0 : i32
    %dma_start3A_132 = tpu.memref_slice %arg4[%mul3A_120, %dma_start3A_131] : memref<64000x128xf32, #tpu.memory_space<hbm>> -> memref<128x128xf32, #tpu.memory_space<hbm>>
    %dma_start3A_133 = arith.constant 0 : i32
    %dma_start3A_134 = tpu.memref_slice %arg4[%mul3A_120, %dma_start3A_133] : memref<64000x128xf32, #tpu.memory_space<hbm>> -> memref<128x128xf32, #tpu.memory_space<hbm>>
    tpu.enqueue_dma source(%arg7 : memref<128x128xf32, #tpu.memory_space<vmem>>) target(%dma_start3A_134 : memref<128x128xf32, #tpu.memory_space<hbm>>) target_semaphore(%arg9 : memref<!tpu.dma_semaphore, #tpu.memory_space<semaphore_mem>>)
    %add3A_135 = arith.constant 256 : i32
    %add3A_136 = arith.addi %add3A, %add3A_135 : i32
    %mul3A_137 = arith.constant 128 : i32
    %mul3A_138 = arith.muli %add3A_136, %mul3A_137 : i32
    %dma_wait3A_139 = arith.constant 0 : i32
    %dma_wait3A_140 = tpu.memref_slice %arg4[%mul3A_102, %dma_wait3A_139] : memref<64000x128xf32, #tpu.memory_space<hbm>> -> memref<128x128xf32, #tpu.memory_space<hbm>>
    %dma_wait3A_141 = arith.constant 0 : i32
    %dma_wait3A_142 = tpu.memref_slice %arg4[%mul3A_102, %dma_wait3A_141] : memref<64000x128xf32, #tpu.memory_space<hbm>> -> memref<128x128xf32, #tpu.memory_space<hbm>>
    tpu.wait_dma2 semaphore(%arg9 : memref<!tpu.dma_semaphore, #tpu.memory_space<semaphore_mem>>) src(%arg6 : memref<128x128xf32, #tpu.memory_space<vmem>>) dst(%dma_wait3A_142 : memref<128x128xf32, #tpu.memory_space<hbm>>)
    "tpu.region"() ({
      %run_scoped3A = tpu.sem_alloc : memref<!tpu.dma_semaphore, #tpu.memory_space<semaphore_mem>>
      %dma_start3A_273 = tpu.memref_slice %arg3[%mul3A_138] : memref<64000xi32, #tpu.memory_space<hbm>> -> memref<128xi32, #tpu.memory_space<hbm>>
      %dma_start3A_274 = tpu.memref_slice %arg3[%mul3A_138] : memref<64000xi32, #tpu.memory_space<hbm>> -> memref<128xi32, #tpu.memory_space<hbm>>
      tpu.enqueue_dma source(%dma_start3A_274 : memref<128xi32, #tpu.memory_space<hbm>>) target(%arg5 : memref<128xi32, #tpu.memory_space<vmem>>) target_semaphore(%run_scoped3A : memref<!tpu.dma_semaphore, #tpu.memory_space<semaphore_mem>>)
      %dma_wait3A_275 = tpu.memref_slice %arg3[%mul3A_138] : memref<64000xi32, #tpu.memory_space<hbm>> -> memref<128xi32, #tpu.memory_space<hbm>>
      %dma_wait3A_276 = tpu.memref_slice %arg3[%mul3A_138] : memref<64000xi32, #tpu.memory_space<hbm>> -> memref<128xi32, #tpu.memory_space<hbm>>
      tpu.wait_dma2 semaphore(%run_scoped3A : memref<!tpu.dma_semaphore, #tpu.memory_space<semaphore_mem>>) src(%dma_wait3A_276 : memref<128xi32, #tpu.memory_space<hbm>>) dst(%arg5 : memref<128xi32, #tpu.memory_space<vmem>>)
      tpu.yield
    }) : () -> ()
    %dma_start3A_143 = arith.constant 0 : i32
    %dma_start3A_144 = arith.constant 0 : i32
    %dma_start3A_145 = tpu.memref_slice %arg2[%dma_start3A_143, %dma_start3A_144] : memref<8192x128xf32, #tpu.memory_space<hbm>> -> memref<8192x128xf32, #tpu.memory_space<hbm>>
    tpu.enqueue_indirect_dma source(%dma_start3A_145 : memref<8192x128xf32, #tpu.memory_space<hbm>>) target(%arg6 : memref<128x128xf32, #tpu.memory_space<vmem>>) offsets(%arg5 : memref<128xi32, #tpu.memory_space<vmem>>) semaphore(%arg8 : memref<!tpu.dma_semaphore, #tpu.memory_space<semaphore_mem>>)
    %dma_wait3A_146 = arith.constant 0 : i32
    %dma_wait3A_147 = arith.constant 0 : i32
    %dma_wait3A_148 = tpu.memref_slice %arg2[%dma_wait3A_146, %dma_wait3A_147] : memref<8192x128xf32, #tpu.memory_space<hbm>> -> memref<8192x128xf32, #tpu.memory_space<hbm>>
    tpu.wait_indirect_dma semaphore(%arg8 : memref<!tpu.dma_semaphore, #tpu.memory_space<semaphore_mem>>) src(%dma_wait3A_148 : memref<8192x128xf32, #tpu.memory_space<hbm>>) dst(%arg6 : memref<128x128xf32, #tpu.memory_space<vmem>>)
    %dma_start3A_149 = arith.constant 0 : i32
    %dma_start3A_150 = tpu.memref_slice %arg4[%mul3A_138, %dma_start3A_149] : memref<64000x128xf32, #tpu.memory_space<hbm>> -> memref<128x128xf32, #tpu.memory_space<hbm>>
    %dma_start3A_151 = arith.constant 0 : i32
    %dma_start3A_152 = tpu.memref_slice %arg4[%mul3A_138, %dma_start3A_151] : memref<64000x128xf32, #tpu.memory_space<hbm>> -> memref<128x128xf32, #tpu.memory_space<hbm>>
    tpu.enqueue_dma source(%arg6 : memref<128x128xf32, #tpu.memory_space<vmem>>) target(%dma_start3A_152 : memref<128x128xf32, #tpu.memory_space<hbm>>) target_semaphore(%arg9 : memref<!tpu.dma_semaphore, #tpu.memory_space<semaphore_mem>>)
    %add3A_153 = arith.constant 288 : i32
    %add3A_154 = arith.addi %add3A, %add3A_153 : i32
    %mul3A_155 = arith.constant 128 : i32
    %mul3A_156 = arith.muli %add3A_154, %mul3A_155 : i32
    %dma_wait3A_157 = arith.constant 0 : i32
    %dma_wait3A_158 = tpu.memref_slice %arg4[%mul3A_120, %dma_wait3A_157] : memref<64000x128xf32, #tpu.memory_space<hbm>> -> memref<128x128xf32, #tpu.memory_space<hbm>>
    %dma_wait3A_159 = arith.constant 0 : i32
    %dma_wait3A_160 = tpu.memref_slice %arg4[%mul3A_120, %dma_wait3A_159] : memref<64000x128xf32, #tpu.memory_space<hbm>> -> memref<128x128xf32, #tpu.memory_space<hbm>>
    tpu.wait_dma2 semaphore(%arg9 : memref<!tpu.dma_semaphore, #tpu.memory_space<semaphore_mem>>) src(%arg7 : memref<128x128xf32, #tpu.memory_space<vmem>>) dst(%dma_wait3A_160 : memref<128x128xf32, #tpu.memory_space<hbm>>)
    "tpu.region"() ({
      %run_scoped3A = tpu.sem_alloc : memref<!tpu.dma_semaphore, #tpu.memory_space<semaphore_mem>>
      %dma_start3A_273 = tpu.memref_slice %arg3[%mul3A_156] : memref<64000xi32, #tpu.memory_space<hbm>> -> memref<128xi32, #tpu.memory_space<hbm>>
      %dma_start3A_274 = tpu.memref_slice %arg3[%mul3A_156] : memref<64000xi32, #tpu.memory_space<hbm>> -> memref<128xi32, #tpu.memory_space<hbm>>
      tpu.enqueue_dma source(%dma_start3A_274 : memref<128xi32, #tpu.memory_space<hbm>>) target(%arg5 : memref<128xi32, #tpu.memory_space<vmem>>) target_semaphore(%run_scoped3A : memref<!tpu.dma_semaphore, #tpu.memory_space<semaphore_mem>>)
      %dma_wait3A_275 = tpu.memref_slice %arg3[%mul3A_156] : memref<64000xi32, #tpu.memory_space<hbm>> -> memref<128xi32, #tpu.memory_space<hbm>>
      %dma_wait3A_276 = tpu.memref_slice %arg3[%mul3A_156] : memref<64000xi32, #tpu.memory_space<hbm>> -> memref<128xi32, #tpu.memory_space<hbm>>
      tpu.wait_dma2 semaphore(%run_scoped3A : memref<!tpu.dma_semaphore, #tpu.memory_space<semaphore_mem>>) src(%dma_wait3A_276 : memref<128xi32, #tpu.memory_space<hbm>>) dst(%arg5 : memref<128xi32, #tpu.memory_space<vmem>>)
      tpu.yield
    }) : () -> ()
    %dma_start3A_161 = arith.constant 0 : i32
    %dma_start3A_162 = arith.constant 0 : i32
    %dma_start3A_163 = tpu.memref_slice %arg2[%dma_start3A_161, %dma_start3A_162] : memref<8192x128xf32, #tpu.memory_space<hbm>> -> memref<8192x128xf32, #tpu.memory_space<hbm>>
    tpu.enqueue_indirect_dma source(%dma_start3A_163 : memref<8192x128xf32, #tpu.memory_space<hbm>>) target(%arg7 : memref<128x128xf32, #tpu.memory_space<vmem>>) offsets(%arg5 : memref<128xi32, #tpu.memory_space<vmem>>) semaphore(%arg8 : memref<!tpu.dma_semaphore, #tpu.memory_space<semaphore_mem>>)
    %dma_wait3A_164 = arith.constant 0 : i32
    %dma_wait3A_165 = arith.constant 0 : i32
    %dma_wait3A_166 = tpu.memref_slice %arg2[%dma_wait3A_164, %dma_wait3A_165] : memref<8192x128xf32, #tpu.memory_space<hbm>> -> memref<8192x128xf32, #tpu.memory_space<hbm>>
    tpu.wait_indirect_dma semaphore(%arg8 : memref<!tpu.dma_semaphore, #tpu.memory_space<semaphore_mem>>) src(%dma_wait3A_166 : memref<8192x128xf32, #tpu.memory_space<hbm>>) dst(%arg7 : memref<128x128xf32, #tpu.memory_space<vmem>>)
    %dma_start3A_167 = arith.constant 0 : i32
    %dma_start3A_168 = tpu.memref_slice %arg4[%mul3A_156, %dma_start3A_167] : memref<64000x128xf32, #tpu.memory_space<hbm>> -> memref<128x128xf32, #tpu.memory_space<hbm>>
    %dma_start3A_169 = arith.constant 0 : i32
    %dma_start3A_170 = tpu.memref_slice %arg4[%mul3A_156, %dma_start3A_169] : memref<64000x128xf32, #tpu.memory_space<hbm>> -> memref<128x128xf32, #tpu.memory_space<hbm>>
    tpu.enqueue_dma source(%arg7 : memref<128x128xf32, #tpu.memory_space<vmem>>) target(%dma_start3A_170 : memref<128x128xf32, #tpu.memory_space<hbm>>) target_semaphore(%arg9 : memref<!tpu.dma_semaphore, #tpu.memory_space<semaphore_mem>>)
    %add3A_171 = arith.constant 320 : i32
    %add3A_172 = arith.addi %add3A, %add3A_171 : i32
    %mul3A_173 = arith.constant 128 : i32
    %mul3A_174 = arith.muli %add3A_172, %mul3A_173 : i32
    %dma_wait3A_175 = arith.constant 0 : i32
    %dma_wait3A_176 = tpu.memref_slice %arg4[%mul3A_138, %dma_wait3A_175] : memref<64000x128xf32, #tpu.memory_space<hbm>> -> memref<128x128xf32, #tpu.memory_space<hbm>>
    %dma_wait3A_177 = arith.constant 0 : i32
    %dma_wait3A_178 = tpu.memref_slice %arg4[%mul3A_138, %dma_wait3A_177] : memref<64000x128xf32, #tpu.memory_space<hbm>> -> memref<128x128xf32, #tpu.memory_space<hbm>>
    tpu.wait_dma2 semaphore(%arg9 : memref<!tpu.dma_semaphore, #tpu.memory_space<semaphore_mem>>) src(%arg6 : memref<128x128xf32, #tpu.memory_space<vmem>>) dst(%dma_wait3A_178 : memref<128x128xf32, #tpu.memory_space<hbm>>)
    "tpu.region"() ({
      %run_scoped3A = tpu.sem_alloc : memref<!tpu.dma_semaphore, #tpu.memory_space<semaphore_mem>>
      %dma_start3A_273 = tpu.memref_slice %arg3[%mul3A_174] : memref<64000xi32, #tpu.memory_space<hbm>> -> memref<128xi32, #tpu.memory_space<hbm>>
      %dma_start3A_274 = tpu.memref_slice %arg3[%mul3A_174] : memref<64000xi32, #tpu.memory_space<hbm>> -> memref<128xi32, #tpu.memory_space<hbm>>
      tpu.enqueue_dma source(%dma_start3A_274 : memref<128xi32, #tpu.memory_space<hbm>>) target(%arg5 : memref<128xi32, #tpu.memory_space<vmem>>) target_semaphore(%run_scoped3A : memref<!tpu.dma_semaphore, #tpu.memory_space<semaphore_mem>>)
      %dma_wait3A_275 = tpu.memref_slice %arg3[%mul3A_174] : memref<64000xi32, #tpu.memory_space<hbm>> -> memref<128xi32, #tpu.memory_space<hbm>>
      %dma_wait3A_276 = tpu.memref_slice %arg3[%mul3A_174] : memref<64000xi32, #tpu.memory_space<hbm>> -> memref<128xi32, #tpu.memory_space<hbm>>
      tpu.wait_dma2 semaphore(%run_scoped3A : memref<!tpu.dma_semaphore, #tpu.memory_space<semaphore_mem>>) src(%dma_wait3A_276 : memref<128xi32, #tpu.memory_space<hbm>>) dst(%arg5 : memref<128xi32, #tpu.memory_space<vmem>>)
      tpu.yield
    }) : () -> ()
    %dma_start3A_179 = arith.constant 0 : i32
    %dma_start3A_180 = arith.constant 0 : i32
    %dma_start3A_181 = tpu.memref_slice %arg2[%dma_start3A_179, %dma_start3A_180] : memref<8192x128xf32, #tpu.memory_space<hbm>> -> memref<8192x128xf32, #tpu.memory_space<hbm>>
    tpu.enqueue_indirect_dma source(%dma_start3A_181 : memref<8192x128xf32, #tpu.memory_space<hbm>>) target(%arg6 : memref<128x128xf32, #tpu.memory_space<vmem>>) offsets(%arg5 : memref<128xi32, #tpu.memory_space<vmem>>) semaphore(%arg8 : memref<!tpu.dma_semaphore, #tpu.memory_space<semaphore_mem>>)
    %dma_wait3A_182 = arith.constant 0 : i32
    %dma_wait3A_183 = arith.constant 0 : i32
    %dma_wait3A_184 = tpu.memref_slice %arg2[%dma_wait3A_182, %dma_wait3A_183] : memref<8192x128xf32, #tpu.memory_space<hbm>> -> memref<8192x128xf32, #tpu.memory_space<hbm>>
    tpu.wait_indirect_dma semaphore(%arg8 : memref<!tpu.dma_semaphore, #tpu.memory_space<semaphore_mem>>) src(%dma_wait3A_184 : memref<8192x128xf32, #tpu.memory_space<hbm>>) dst(%arg6 : memref<128x128xf32, #tpu.memory_space<vmem>>)
    %dma_start3A_185 = arith.constant 0 : i32
    %dma_start3A_186 = tpu.memref_slice %arg4[%mul3A_174, %dma_start3A_185] : memref<64000x128xf32, #tpu.memory_space<hbm>> -> memref<128x128xf32, #tpu.memory_space<hbm>>
    %dma_start3A_187 = arith.constant 0 : i32
    %dma_start3A_188 = tpu.memref_slice %arg4[%mul3A_174, %dma_start3A_187] : memref<64000x128xf32, #tpu.memory_space<hbm>> -> memref<128x128xf32, #tpu.memory_space<hbm>>
    tpu.enqueue_dma source(%arg6 : memref<128x128xf32, #tpu.memory_space<vmem>>) target(%dma_start3A_188 : memref<128x128xf32, #tpu.memory_space<hbm>>) target_semaphore(%arg9 : memref<!tpu.dma_semaphore, #tpu.memory_space<semaphore_mem>>)
    %add3A_189 = arith.constant 352 : i32
    %add3A_190 = arith.addi %add3A, %add3A_189 : i32
    %mul3A_191 = arith.constant 128 : i32
    %mul3A_192 = arith.muli %add3A_190, %mul3A_191 : i32
    %dma_wait3A_193 = arith.constant 0 : i32
    %dma_wait3A_194 = tpu.memref_slice %arg4[%mul3A_156, %dma_wait3A_193] : memref<64000x128xf32, #tpu.memory_space<hbm>> -> memref<128x128xf32, #tpu.memory_space<hbm>>
    %dma_wait3A_195 = arith.constant 0 : i32
    %dma_wait3A_196 = tpu.memref_slice %arg4[%mul3A_156, %dma_wait3A_195] : memref<64000x128xf32, #tpu.memory_space<hbm>> -> memref<128x128xf32, #tpu.memory_space<hbm>>
    tpu.wait_dma2 semaphore(%arg9 : memref<!tpu.dma_semaphore, #tpu.memory_space<semaphore_mem>>) src(%arg7 : memref<128x128xf32, #tpu.memory_space<vmem>>) dst(%dma_wait3A_196 : memref<128x128xf32, #tpu.memory_space<hbm>>)
    "tpu.region"() ({
      %run_scoped3A = tpu.sem_alloc : memref<!tpu.dma_semaphore, #tpu.memory_space<semaphore_mem>>
      %dma_start3A_273 = tpu.memref_slice %arg3[%mul3A_192] : memref<64000xi32, #tpu.memory_space<hbm>> -> memref<128xi32, #tpu.memory_space<hbm>>
      %dma_start3A_274 = tpu.memref_slice %arg3[%mul3A_192] : memref<64000xi32, #tpu.memory_space<hbm>> -> memref<128xi32, #tpu.memory_space<hbm>>
      tpu.enqueue_dma source(%dma_start3A_274 : memref<128xi32, #tpu.memory_space<hbm>>) target(%arg5 : memref<128xi32, #tpu.memory_space<vmem>>) target_semaphore(%run_scoped3A : memref<!tpu.dma_semaphore, #tpu.memory_space<semaphore_mem>>)
      %dma_wait3A_275 = tpu.memref_slice %arg3[%mul3A_192] : memref<64000xi32, #tpu.memory_space<hbm>> -> memref<128xi32, #tpu.memory_space<hbm>>
      %dma_wait3A_276 = tpu.memref_slice %arg3[%mul3A_192] : memref<64000xi32, #tpu.memory_space<hbm>> -> memref<128xi32, #tpu.memory_space<hbm>>
      tpu.wait_dma2 semaphore(%run_scoped3A : memref<!tpu.dma_semaphore, #tpu.memory_space<semaphore_mem>>) src(%dma_wait3A_276 : memref<128xi32, #tpu.memory_space<hbm>>) dst(%arg5 : memref<128xi32, #tpu.memory_space<vmem>>)
      tpu.yield
    }) : () -> ()
    %dma_start3A_197 = arith.constant 0 : i32
    %dma_start3A_198 = arith.constant 0 : i32
    %dma_start3A_199 = tpu.memref_slice %arg2[%dma_start3A_197, %dma_start3A_198] : memref<8192x128xf32, #tpu.memory_space<hbm>> -> memref<8192x128xf32, #tpu.memory_space<hbm>>
    tpu.enqueue_indirect_dma source(%dma_start3A_199 : memref<8192x128xf32, #tpu.memory_space<hbm>>) target(%arg7 : memref<128x128xf32, #tpu.memory_space<vmem>>) offsets(%arg5 : memref<128xi32, #tpu.memory_space<vmem>>) semaphore(%arg8 : memref<!tpu.dma_semaphore, #tpu.memory_space<semaphore_mem>>)
    %dma_wait3A_200 = arith.constant 0 : i32
    %dma_wait3A_201 = arith.constant 0 : i32
    %dma_wait3A_202 = tpu.memref_slice %arg2[%dma_wait3A_200, %dma_wait3A_201] : memref<8192x128xf32, #tpu.memory_space<hbm>> -> memref<8192x128xf32, #tpu.memory_space<hbm>>
    tpu.wait_indirect_dma semaphore(%arg8 : memref<!tpu.dma_semaphore, #tpu.memory_space<semaphore_mem>>) src(%dma_wait3A_202 : memref<8192x128xf32, #tpu.memory_space<hbm>>) dst(%arg7 : memref<128x128xf32, #tpu.memory_space<vmem>>)
    %dma_start3A_203 = arith.constant 0 : i32
    %dma_start3A_204 = tpu.memref_slice %arg4[%mul3A_192, %dma_start3A_203] : memref<64000x128xf32, #tpu.memory_space<hbm>> -> memref<128x128xf32, #tpu.memory_space<hbm>>
    %dma_start3A_205 = arith.constant 0 : i32
    %dma_start3A_206 = tpu.memref_slice %arg4[%mul3A_192, %dma_start3A_205] : memref<64000x128xf32, #tpu.memory_space<hbm>> -> memref<128x128xf32, #tpu.memory_space<hbm>>
    tpu.enqueue_dma source(%arg7 : memref<128x128xf32, #tpu.memory_space<vmem>>) target(%dma_start3A_206 : memref<128x128xf32, #tpu.memory_space<hbm>>) target_semaphore(%arg9 : memref<!tpu.dma_semaphore, #tpu.memory_space<semaphore_mem>>)
    %add3A_207 = arith.constant 384 : i32
    %add3A_208 = arith.addi %add3A, %add3A_207 : i32
    %mul3A_209 = arith.constant 128 : i32
    %mul3A_210 = arith.muli %add3A_208, %mul3A_209 : i32
    %dma_wait3A_211 = arith.constant 0 : i32
    %dma_wait3A_212 = tpu.memref_slice %arg4[%mul3A_174, %dma_wait3A_211] : memref<64000x128xf32, #tpu.memory_space<hbm>> -> memref<128x128xf32, #tpu.memory_space<hbm>>
    %dma_wait3A_213 = arith.constant 0 : i32
    %dma_wait3A_214 = tpu.memref_slice %arg4[%mul3A_174, %dma_wait3A_213] : memref<64000x128xf32, #tpu.memory_space<hbm>> -> memref<128x128xf32, #tpu.memory_space<hbm>>
    tpu.wait_dma2 semaphore(%arg9 : memref<!tpu.dma_semaphore, #tpu.memory_space<semaphore_mem>>) src(%arg6 : memref<128x128xf32, #tpu.memory_space<vmem>>) dst(%dma_wait3A_214 : memref<128x128xf32, #tpu.memory_space<hbm>>)
    "tpu.region"() ({
      %run_scoped3A = tpu.sem_alloc : memref<!tpu.dma_semaphore, #tpu.memory_space<semaphore_mem>>
      %dma_start3A_273 = tpu.memref_slice %arg3[%mul3A_210] : memref<64000xi32, #tpu.memory_space<hbm>> -> memref<128xi32, #tpu.memory_space<hbm>>
      %dma_start3A_274 = tpu.memref_slice %arg3[%mul3A_210] : memref<64000xi32, #tpu.memory_space<hbm>> -> memref<128xi32, #tpu.memory_space<hbm>>
      tpu.enqueue_dma source(%dma_start3A_274 : memref<128xi32, #tpu.memory_space<hbm>>) target(%arg5 : memref<128xi32, #tpu.memory_space<vmem>>) target_semaphore(%run_scoped3A : memref<!tpu.dma_semaphore, #tpu.memory_space<semaphore_mem>>)
      %dma_wait3A_275 = tpu.memref_slice %arg3[%mul3A_210] : memref<64000xi32, #tpu.memory_space<hbm>> -> memref<128xi32, #tpu.memory_space<hbm>>
      %dma_wait3A_276 = tpu.memref_slice %arg3[%mul3A_210] : memref<64000xi32, #tpu.memory_space<hbm>> -> memref<128xi32, #tpu.memory_space<hbm>>
      tpu.wait_dma2 semaphore(%run_scoped3A : memref<!tpu.dma_semaphore, #tpu.memory_space<semaphore_mem>>) src(%dma_wait3A_276 : memref<128xi32, #tpu.memory_space<hbm>>) dst(%arg5 : memref<128xi32, #tpu.memory_space<vmem>>)
      tpu.yield
    }) : () -> ()
    %dma_start3A_215 = arith.constant 0 : i32
    %dma_start3A_216 = arith.constant 0 : i32
    %dma_start3A_217 = tpu.memref_slice %arg2[%dma_start3A_215, %dma_start3A_216] : memref<8192x128xf32, #tpu.memory_space<hbm>> -> memref<8192x128xf32, #tpu.memory_space<hbm>>
    tpu.enqueue_indirect_dma source(%dma_start3A_217 : memref<8192x128xf32, #tpu.memory_space<hbm>>) target(%arg6 : memref<128x128xf32, #tpu.memory_space<vmem>>) offsets(%arg5 : memref<128xi32, #tpu.memory_space<vmem>>) semaphore(%arg8 : memref<!tpu.dma_semaphore, #tpu.memory_space<semaphore_mem>>)
    %dma_wait3A_218 = arith.constant 0 : i32
    %dma_wait3A_219 = arith.constant 0 : i32
    %dma_wait3A_220 = tpu.memref_slice %arg2[%dma_wait3A_218, %dma_wait3A_219] : memref<8192x128xf32, #tpu.memory_space<hbm>> -> memref<8192x128xf32, #tpu.memory_space<hbm>>
    tpu.wait_indirect_dma semaphore(%arg8 : memref<!tpu.dma_semaphore, #tpu.memory_space<semaphore_mem>>) src(%dma_wait3A_220 : memref<8192x128xf32, #tpu.memory_space<hbm>>) dst(%arg6 : memref<128x128xf32, #tpu.memory_space<vmem>>)
    %dma_start3A_221 = arith.constant 0 : i32
    %dma_start3A_222 = tpu.memref_slice %arg4[%mul3A_210, %dma_start3A_221] : memref<64000x128xf32, #tpu.memory_space<hbm>> -> memref<128x128xf32, #tpu.memory_space<hbm>>
    %dma_start3A_223 = arith.constant 0 : i32
    %dma_start3A_224 = tpu.memref_slice %arg4[%mul3A_210, %dma_start3A_223] : memref<64000x128xf32, #tpu.memory_space<hbm>> -> memref<128x128xf32, #tpu.memory_space<hbm>>
    tpu.enqueue_dma source(%arg6 : memref<128x128xf32, #tpu.memory_space<vmem>>) target(%dma_start3A_224 : memref<128x128xf32, #tpu.memory_space<hbm>>) target_semaphore(%arg9 : memref<!tpu.dma_semaphore, #tpu.memory_space<semaphore_mem>>)
    %add3A_225 = arith.constant 416 : i32
    %add3A_226 = arith.addi %add3A, %add3A_225 : i32
    %mul3A_227 = arith.constant 128 : i32
    %mul3A_228 = arith.muli %add3A_226, %mul3A_227 : i32
    %dma_wait3A_229 = arith.constant 0 : i32
    %dma_wait3A_230 = tpu.memref_slice %arg4[%mul3A_192, %dma_wait3A_229] : memref<64000x128xf32, #tpu.memory_space<hbm>> -> memref<128x128xf32, #tpu.memory_space<hbm>>
    %dma_wait3A_231 = arith.constant 0 : i32
    %dma_wait3A_232 = tpu.memref_slice %arg4[%mul3A_192, %dma_wait3A_231] : memref<64000x128xf32, #tpu.memory_space<hbm>> -> memref<128x128xf32, #tpu.memory_space<hbm>>
    tpu.wait_dma2 semaphore(%arg9 : memref<!tpu.dma_semaphore, #tpu.memory_space<semaphore_mem>>) src(%arg7 : memref<128x128xf32, #tpu.memory_space<vmem>>) dst(%dma_wait3A_232 : memref<128x128xf32, #tpu.memory_space<hbm>>)
    "tpu.region"() ({
      %run_scoped3A = tpu.sem_alloc : memref<!tpu.dma_semaphore, #tpu.memory_space<semaphore_mem>>
      %dma_start3A_273 = tpu.memref_slice %arg3[%mul3A_228] : memref<64000xi32, #tpu.memory_space<hbm>> -> memref<128xi32, #tpu.memory_space<hbm>>
      %dma_start3A_274 = tpu.memref_slice %arg3[%mul3A_228] : memref<64000xi32, #tpu.memory_space<hbm>> -> memref<128xi32, #tpu.memory_space<hbm>>
      tpu.enqueue_dma source(%dma_start3A_274 : memref<128xi32, #tpu.memory_space<hbm>>) target(%arg5 : memref<128xi32, #tpu.memory_space<vmem>>) target_semaphore(%run_scoped3A : memref<!tpu.dma_semaphore, #tpu.memory_space<semaphore_mem>>)
      %dma_wait3A_275 = tpu.memref_slice %arg3[%mul3A_228] : memref<64000xi32, #tpu.memory_space<hbm>> -> memref<128xi32, #tpu.memory_space<hbm>>
      %dma_wait3A_276 = tpu.memref_slice %arg3[%mul3A_228] : memref<64000xi32, #tpu.memory_space<hbm>> -> memref<128xi32, #tpu.memory_space<hbm>>
      tpu.wait_dma2 semaphore(%run_scoped3A : memref<!tpu.dma_semaphore, #tpu.memory_space<semaphore_mem>>) src(%dma_wait3A_276 : memref<128xi32, #tpu.memory_space<hbm>>) dst(%arg5 : memref<128xi32, #tpu.memory_space<vmem>>)
      tpu.yield
    }) : () -> ()
    %dma_start3A_233 = arith.constant 0 : i32
    %dma_start3A_234 = arith.constant 0 : i32
    %dma_start3A_235 = tpu.memref_slice %arg2[%dma_start3A_233, %dma_start3A_234] : memref<8192x128xf32, #tpu.memory_space<hbm>> -> memref<8192x128xf32, #tpu.memory_space<hbm>>
    tpu.enqueue_indirect_dma source(%dma_start3A_235 : memref<8192x128xf32, #tpu.memory_space<hbm>>) target(%arg7 : memref<128x128xf32, #tpu.memory_space<vmem>>) offsets(%arg5 : memref<128xi32, #tpu.memory_space<vmem>>) semaphore(%arg8 : memref<!tpu.dma_semaphore, #tpu.memory_space<semaphore_mem>>)
    %dma_wait3A_236 = arith.constant 0 : i32
    %dma_wait3A_237 = arith.constant 0 : i32
    %dma_wait3A_238 = tpu.memref_slice %arg2[%dma_wait3A_236, %dma_wait3A_237] : memref<8192x128xf32, #tpu.memory_space<hbm>> -> memref<8192x128xf32, #tpu.memory_space<hbm>>
    tpu.wait_indirect_dma semaphore(%arg8 : memref<!tpu.dma_semaphore, #tpu.memory_space<semaphore_mem>>) src(%dma_wait3A_238 : memref<8192x128xf32, #tpu.memory_space<hbm>>) dst(%arg7 : memref<128x128xf32, #tpu.memory_space<vmem>>)
    %dma_start3A_239 = arith.constant 0 : i32
    %dma_start3A_240 = tpu.memref_slice %arg4[%mul3A_228, %dma_start3A_239] : memref<64000x128xf32, #tpu.memory_space<hbm>> -> memref<128x128xf32, #tpu.memory_space<hbm>>
    %dma_start3A_241 = arith.constant 0 : i32
    %dma_start3A_242 = tpu.memref_slice %arg4[%mul3A_228, %dma_start3A_241] : memref<64000x128xf32, #tpu.memory_space<hbm>> -> memref<128x128xf32, #tpu.memory_space<hbm>>
    tpu.enqueue_dma source(%arg7 : memref<128x128xf32, #tpu.memory_space<vmem>>) target(%dma_start3A_242 : memref<128x128xf32, #tpu.memory_space<hbm>>) target_semaphore(%arg9 : memref<!tpu.dma_semaphore, #tpu.memory_space<semaphore_mem>>)
    %add3A_243 = arith.constant 448 : i32
    %add3A_244 = arith.addi %add3A, %add3A_243 : i32
    %mul3A_245 = arith.constant 128 : i32
    %mul3A_246 = arith.muli %add3A_244, %mul3A_245 : i32
    %dma_wait3A_247 = arith.constant 0 : i32
    %dma_wait3A_248 = tpu.memref_slice %arg4[%mul3A_210, %dma_wait3A_247] : memref<64000x128xf32, #tpu.memory_space<hbm>> -> memref<128x128xf32, #tpu.memory_space<hbm>>
    %dma_wait3A_249 = arith.constant 0 : i32
    %dma_wait3A_250 = tpu.memref_slice %arg4[%mul3A_210, %dma_wait3A_249] : memref<64000x128xf32, #tpu.memory_space<hbm>> -> memref<128x128xf32, #tpu.memory_space<hbm>>
    tpu.wait_dma2 semaphore(%arg9 : memref<!tpu.dma_semaphore, #tpu.memory_space<semaphore_mem>>) src(%arg6 : memref<128x128xf32, #tpu.memory_space<vmem>>) dst(%dma_wait3A_250 : memref<128x128xf32, #tpu.memory_space<hbm>>)
    "tpu.region"() ({
      %run_scoped3A = tpu.sem_alloc : memref<!tpu.dma_semaphore, #tpu.memory_space<semaphore_mem>>
      %dma_start3A_273 = tpu.memref_slice %arg3[%mul3A_246] : memref<64000xi32, #tpu.memory_space<hbm>> -> memref<128xi32, #tpu.memory_space<hbm>>
      %dma_start3A_274 = tpu.memref_slice %arg3[%mul3A_246] : memref<64000xi32, #tpu.memory_space<hbm>> -> memref<128xi32, #tpu.memory_space<hbm>>
      tpu.enqueue_dma source(%dma_start3A_274 : memref<128xi32, #tpu.memory_space<hbm>>) target(%arg5 : memref<128xi32, #tpu.memory_space<vmem>>) target_semaphore(%run_scoped3A : memref<!tpu.dma_semaphore, #tpu.memory_space<semaphore_mem>>)
      %dma_wait3A_275 = tpu.memref_slice %arg3[%mul3A_246] : memref<64000xi32, #tpu.memory_space<hbm>> -> memref<128xi32, #tpu.memory_space<hbm>>
      %dma_wait3A_276 = tpu.memref_slice %arg3[%mul3A_246] : memref<64000xi32, #tpu.memory_space<hbm>> -> memref<128xi32, #tpu.memory_space<hbm>>
      tpu.wait_dma2 semaphore(%run_scoped3A : memref<!tpu.dma_semaphore, #tpu.memory_space<semaphore_mem>>) src(%dma_wait3A_276 : memref<128xi32, #tpu.memory_space<hbm>>) dst(%arg5 : memref<128xi32, #tpu.memory_space<vmem>>)
      tpu.yield
    }) : () -> ()
    %dma_start3A_251 = arith.constant 0 : i32
    %dma_start3A_252 = arith.constant 0 : i32
    %dma_start3A_253 = tpu.memref_slice %arg2[%dma_start3A_251, %dma_start3A_252] : memref<8192x128xf32, #tpu.memory_space<hbm>> -> memref<8192x128xf32, #tpu.memory_space<hbm>>
    tpu.enqueue_indirect_dma source(%dma_start3A_253 : memref<8192x128xf32, #tpu.memory_space<hbm>>) target(%arg6 : memref<128x128xf32, #tpu.memory_space<vmem>>) offsets(%arg5 : memref<128xi32, #tpu.memory_space<vmem>>) semaphore(%arg8 : memref<!tpu.dma_semaphore, #tpu.memory_space<semaphore_mem>>)
    %dma_wait3A_254 = arith.constant 0 : i32
    %dma_wait3A_255 = arith.constant 0 : i32
    %dma_wait3A_256 = tpu.memref_slice %arg2[%dma_wait3A_254, %dma_wait3A_255] : memref<8192x128xf32, #tpu.memory_space<hbm>> -> memref<8192x128xf32, #tpu.memory_space<hbm>>
    tpu.wait_indirect_dma semaphore(%arg8 : memref<!tpu.dma_semaphore, #tpu.memory_space<semaphore_mem>>) src(%dma_wait3A_256 : memref<8192x128xf32, #tpu.memory_space<hbm>>) dst(%arg6 : memref<128x128xf32, #tpu.memory_space<vmem>>)
    %dma_start3A_257 = arith.constant 0 : i32
    %dma_start3A_258 = tpu.memref_slice %arg4[%mul3A_246, %dma_start3A_257] : memref<64000x128xf32, #tpu.memory_space<hbm>> -> memref<128x128xf32, #tpu.memory_space<hbm>>
    %dma_start3A_259 = arith.constant 0 : i32
    %dma_start3A_260 = tpu.memref_slice %arg4[%mul3A_246, %dma_start3A_259] : memref<64000x128xf32, #tpu.memory_space<hbm>> -> memref<128x128xf32, #tpu.memory_space<hbm>>
    tpu.enqueue_dma source(%arg6 : memref<128x128xf32, #tpu.memory_space<vmem>>) target(%dma_start3A_260 : memref<128x128xf32, #tpu.memory_space<hbm>>) target_semaphore(%arg9 : memref<!tpu.dma_semaphore, #tpu.memory_space<semaphore_mem>>)
    %dma_wait3A_261 = arith.constant 0 : i32
    %dma_wait3A_262 = tpu.memref_slice %arg4[%mul3A_228, %dma_wait3A_261] : memref<64000x128xf32, #tpu.memory_space<hbm>> -> memref<128x128xf32, #tpu.memory_space<hbm>>
    %dma_wait3A_263 = arith.constant 0 : i32
    %dma_wait3A_264 = tpu.memref_slice %arg4[%mul3A_228, %dma_wait3A_263] : memref<64000x128xf32, #tpu.memory_space<hbm>> -> memref<128x128xf32, #tpu.memory_space<hbm>>
    tpu.wait_dma2 semaphore(%arg9 : memref<!tpu.dma_semaphore, #tpu.memory_space<semaphore_mem>>) src(%arg7 : memref<128x128xf32, #tpu.memory_space<vmem>>) dst(%dma_wait3A_264 : memref<128x128xf32, #tpu.memory_space<hbm>>)
    %dma_wait3A_265 = arith.constant 0 : i32
    %dma_wait3A_266 = tpu.memref_slice %arg4[%mul3A_246, %dma_wait3A_265] : memref<64000x128xf32, #tpu.memory_space<hbm>> -> memref<128x128xf32, #tpu.memory_space<hbm>>
    %dma_wait3A_267 = arith.constant 0 : i32
    %dma_wait3A_268 = tpu.memref_slice %arg4[%mul3A_246, %dma_wait3A_267] : memref<64000x128xf32, #tpu.memory_space<hbm>> -> memref<128x128xf32, #tpu.memory_space<hbm>>
    tpu.wait_dma2 semaphore(%arg9 : memref<!tpu.dma_semaphore, #tpu.memory_space<semaphore_mem>>) src(%arg6 : memref<128x128xf32, #tpu.memory_space<vmem>>) dst(%dma_wait3A_268 : memref<128x128xf32, #tpu.memory_space<hbm>>)
    %add3A_269 = arith.constant 480 : i32
    %add3A_270 = arith.addi %add3A, %add3A_269 : i32
    %lt3A = arith.constant 500 : i32
    %lt3A_271 = arith.cmpi slt, %add3A_270, %lt3A : i32
    %convert_element_type3A = arith.extui %lt3A_271 : i1 to i32
    %cond3A = arith.constant 0 : i32
    %cond3A_272 = arith.cmpi ne, %convert_element_type3A, %cond3A : i32
    scf.if %cond3A_272 {
      %mul3A_273 = arith.constant 128 : i32
      %mul3A_274 = arith.muli %add3A_270, %mul3A_273 : i32
      "tpu.region"() ({
        %run_scoped3A = tpu.sem_alloc : memref<!tpu.dma_semaphore, #tpu.memory_space<semaphore_mem>>
        %dma_start3A_281 = tpu.memref_slice %arg3[%mul3A_274] : memref<64000xi32, #tpu.memory_space<hbm>> -> memref<128xi32, #tpu.memory_space<hbm>>
        %dma_start3A_282 = tpu.memref_slice %arg3[%mul3A_274] : memref<64000xi32, #tpu.memory_space<hbm>> -> memref<128xi32, #tpu.memory_space<hbm>>
        tpu.enqueue_dma source(%dma_start3A_282 : memref<128xi32, #tpu.memory_space<hbm>>) target(%arg5 : memref<128xi32, #tpu.memory_space<vmem>>) target_semaphore(%run_scoped3A : memref<!tpu.dma_semaphore, #tpu.memory_space<semaphore_mem>>)
        %dma_wait3A_283 = tpu.memref_slice %arg3[%mul3A_274] : memref<64000xi32, #tpu.memory_space<hbm>> -> memref<128xi32, #tpu.memory_space<hbm>>
        %dma_wait3A_284 = tpu.memref_slice %arg3[%mul3A_274] : memref<64000xi32, #tpu.memory_space<hbm>> -> memref<128xi32, #tpu.memory_space<hbm>>
        tpu.wait_dma2 semaphore(%run_scoped3A : memref<!tpu.dma_semaphore, #tpu.memory_space<semaphore_mem>>) src(%dma_wait3A_284 : memref<128xi32, #tpu.memory_space<hbm>>) dst(%arg5 : memref<128xi32, #tpu.memory_space<vmem>>)
        tpu.yield
      }) : () -> ()
      %dma_start3A_275 = arith.constant 0 : i32
      %dma_start3A_276 = arith.constant 0 : i32
      %dma_start3A_277 = tpu.memref_slice %arg2[%dma_start3A_275, %dma_start3A_276] : memref<8192x128xf32, #tpu.memory_space<hbm>> -> memref<8192x128xf32, #tpu.memory_space<hbm>>
      tpu.enqueue_indirect_dma source(%dma_start3A_277 : memref<8192x128xf32, #tpu.memory_space<hbm>>) target(%arg6 : memref<128x128xf32, #tpu.memory_space<vmem>>) offsets(%arg5 : memref<128xi32, #tpu.memory_space<vmem>>) semaphore(%arg8 : memref<!tpu.dma_semaphore, #tpu.memory_space<semaphore_mem>>)
      %dma_wait3A_278 = arith.constant 0 : i32
      %dma_wait3A_279 = arith.constant 0 : i32
      %dma_wait3A_280 = tpu.memref_slice %arg2[%dma_wait3A_278, %dma_wait3A_279] : memref<8192x128xf32, #tpu.memory_space<hbm>> -> memref<8192x128xf32, #tpu.memory_space<hbm>>
      tpu.wait_indirect_dma semaphore(%arg8 : memref<!tpu.dma_semaphore, #tpu.memory_space<semaphore_mem>>) src(%dma_wait3A_280 : memref<8192x128xf32, #tpu.memory_space<hbm>>) dst(%arg6 : memref<128x128xf32, #tpu.memory_space<vmem>>)
      "tpu.region"() ({
        %run_scoped3A = tpu.sem_alloc : memref<!tpu.dma_semaphore, #tpu.memory_space<semaphore_mem>>
        %dma_start3A_281 = arith.constant 0 : i32
        %dma_start3A_282 = tpu.memref_slice %arg4[%mul3A_274, %dma_start3A_281] : memref<64000x128xf32, #tpu.memory_space<hbm>> -> memref<128x128xf32, #tpu.memory_space<hbm>>
        %dma_start3A_283 = arith.constant 0 : i32
        %dma_start3A_284 = tpu.memref_slice %arg4[%mul3A_274, %dma_start3A_283] : memref<64000x128xf32, #tpu.memory_space<hbm>> -> memref<128x128xf32, #tpu.memory_space<hbm>>
        tpu.enqueue_dma source(%arg6 : memref<128x128xf32, #tpu.memory_space<vmem>>) target(%dma_start3A_284 : memref<128x128xf32, #tpu.memory_space<hbm>>) target_semaphore(%run_scoped3A : memref<!tpu.dma_semaphore, #tpu.memory_space<semaphore_mem>>)
        %dma_wait3A_285 = arith.constant 0 : i32
        %dma_wait3A_286 = tpu.memref_slice %arg4[%mul3A_274, %dma_wait3A_285] : memref<64000x128xf32, #tpu.memory_space<hbm>> -> memref<128x128xf32, #tpu.memory_space<hbm>>
        %dma_wait3A_287 = arith.constant 0 : i32
        %dma_wait3A_288 = tpu.memref_slice %arg4[%mul3A_274, %dma_wait3A_287] : memref<64000x128xf32, #tpu.memory_space<hbm>> -> memref<128x128xf32, #tpu.memory_space<hbm>>
        tpu.wait_dma2 semaphore(%run_scoped3A : memref<!tpu.dma_semaphore, #tpu.memory_space<semaphore_mem>>) src(%arg6 : memref<128x128xf32, #tpu.memory_space<vmem>>) dst(%dma_wait3A_288 : memref<128x128xf32, #tpu.memory_space<hbm>>)
        tpu.yield
      }) : () -> ()
    } else {
    }
    return
  }
}

module attributes {stable_mosaic.version = 14 : i64} {
  func.func @_dist_kernel(%arg0: i32, %arg1: i32, %arg2: memref<1x125x16x1024xf32, #tpu.memory_space<vmem>>, %arg3: memref<1x1024x1024xf32, #tpu.memory_space<vmem>>, %arg4: memref<1x1x2000xi32, #tpu.memory_space<vmem>>) attributes {dimension_semantics = [#tpu.dimension_semantics<arbitrary>, #tpu.dimension_semantics<arbitrary>], iteration_bounds = array<i64: 2, 4>, scalar_prefetch = 0 : i64, scratch_operands = 0 : i64, tpu.core_type = #tpu.core_type<tc>, window_params = [{transform_indices = @transform_0, window_bounds = array<i64: 1, 125, 16, 1024>}, {transform_indices = @transform_1, window_bounds = array<i64: 1, 1024, 1024>}, {transform_indices = @transform_2, window_bounds = array<i64: 1, 1, 2000>}]} {
    %get3A = arith.constant 0 : index
    %get3A_0 = arith.constant 0 : index
    %get3A_1 = arith.constant 0 : index
    %get3A_2 = arith.constant 0 : index
    %get3A_3 = vector.load %arg2[%get3A, %get3A_0, %get3A_1, %get3A_2] : memref<1x125x16x1024xf32, #tpu.memory_space<vmem>>, vector<1x125x16x1024xf32>
    %get3A_4 = vector.shape_cast %get3A_3 : vector<1x125x16x1024xf32> to vector<125x16x1024xf32>
    %reshape3A = vector.shape_cast %get3A_4 : vector<125x16x1024xf32> to vector<2000x1024xf32>
    %get3A_5 = arith.constant 0 : index
    %get3A_6 = arith.constant 0 : index
    %get3A_7 = arith.constant 0 : index
    %get3A_8 = vector.load %arg3[%get3A_5, %get3A_6, %get3A_7] : memref<1x1024x1024xf32, #tpu.memory_space<vmem>>, vector<1x1024x1024xf32>
    %get3A_9 = vector.shape_cast %get3A_8 : vector<1x1024x1024xf32> to vector<1024x1024xf32>
    %dot_general3A = arith.constant dense<0.000000e+00> : vector<2000x1024xf32>
    %dot_general3A_10 = tpu.matmul %reshape3A, %get3A_9, %dot_general3A {dimension_numbers = #tpu.dot_dimension_numbers<[1], [1], [0], [0], [0, 0, 1, 0], [], []>, transpose_lhs_hint = false} : vector<2000x1024xf32>, vector<1024x1024xf32>, vector<2000x1024xf32> -> vector<2000x1024xf32>
    %mul3A = arith.mulf %reshape3A, %reshape3A : vector<2000x1024xf32>
    %reduce_sum3A = arith.constant dense<0.000000e+00> : vector<2000xf32>
    %reduce_sum3A_11 = vector.multi_reduction <add>, %mul3A, %reduce_sum3A [1] : vector<2000x1024xf32> to vector<2000xf32>
    %broadcast_in_dim3A = vector.shape_cast %reduce_sum3A_11 : vector<2000xf32> to vector<2000x1xf32>
    %mul3A_12 = arith.mulf %get3A_9, %get3A_9 : vector<1024x1024xf32>
    %reduce_sum3A_13 = arith.constant dense<0.000000e+00> : vector<1024xf32>
    %reduce_sum3A_14 = vector.multi_reduction <add>, %mul3A_12, %reduce_sum3A_13 [1] : vector<1024x1024xf32> to vector<1024xf32>
    %broadcast_in_dim3A_15 = vector.shape_cast %reduce_sum3A_14 : vector<1024xf32> to vector<1x1024xf32>
    %mul3A_16 = arith.constant 2.000000e+00 : f32
    %mul3A_17 = vector.broadcast %mul3A_16 : f32 to vector<2000x1024xf32>
    %mul3A_18 = arith.mulf %mul3A_17, %dot_general3A_10 : vector<2000x1024xf32>
    %sub3A = vector.broadcast %broadcast_in_dim3A : vector<2000x1xf32> to vector<2000x1024xf32>
    %sub3A_19 = arith.subf %sub3A, %mul3A_18 : vector<2000x1024xf32>
    %add3A = vector.broadcast %broadcast_in_dim3A_15 : vector<1x1024xf32> to vector<2000x1024xf32>
    %add3A_20 = arith.addf %sub3A_19, %add3A : vector<2000x1024xf32>
    %iota3A = tpu.iota {dimensions = array<i32: 1>} : vector<2000x1024xi32>
    %lt3A = arith.constant 1000 : i32
    %lt3A_21 = vector.broadcast %lt3A : i32 to vector<2000x1024xi32>
    %lt3A_22 = arith.cmpi slt, %iota3A, %lt3A_21 : vector<2000x1024xi32>
    %jit3A = arith.constant 3.000000e+38 : f32
    %broadcast_in_dim3A_23 = vector.broadcast %jit3A : f32 to vector<2000x1024xf32>
    %select_n3A = arith.select %lt3A_22, %add3A_20, %broadcast_in_dim3A_23 : vector<2000x1024xi1>, vector<2000x1024xf32>
    %reduce_min3A = arith.constant dense<0x7F800000> : vector<2000xf32>
    %reduce_min3A_24 = vector.multi_reduction <minimumf>, %select_n3A, %reduce_min3A [1] : vector<2000x1024xf32> to vector<2000xf32>
    %broadcast_in_dim3A_25 = vector.shape_cast %reduce_min3A_24 : vector<2000xf32> to vector<2000x1xf32>
    %eq3A = vector.broadcast %broadcast_in_dim3A_25 : vector<2000x1xf32> to vector<2000x1024xf32>
    %eq3A_26 = arith.cmpf oeq, %select_n3A, %eq3A : vector<2000x1024xf32>
    %jit3A_27 = arith.constant 1024 : i32
    %broadcast_in_dim3A_28 = vector.broadcast %jit3A_27 : i32 to vector<2000x1024xi32>
    %select_n3A_29 = arith.select %eq3A_26, %iota3A, %broadcast_in_dim3A_28 : vector<2000x1024xi1>, vector<2000x1024xi32>
    %reduce_min3A_30 = arith.constant dense<2147483647> : vector<2000xi32>
    %reduce_min3A_31 = vector.multi_reduction <minsi>, %select_n3A_29, %reduce_min3A_30 [1] : vector<2000x1024xi32> to vector<2000xi32>
    %swap3A = arith.constant 0 : index
    %swap3A_32 = arith.constant 0 : index
    %swap3A_33 = arith.constant 0 : index
    %swap3A_34 = vector.load %arg4[%swap3A, %swap3A_32, %swap3A_33] : memref<1x1x2000xi32, #tpu.memory_space<vmem>>, vector<1x1x2000xi32>
    %swap3A_35 = vector.shape_cast %swap3A_34 : vector<1x1x2000xi32> to vector<2000xi32>
    %swap3A_36 = vector.shape_cast %reduce_min3A_31 : vector<2000xi32> to vector<1x1x2000xi32>
    tpu.vector_store %arg4[%swap3A, %swap3A_32, %swap3A_33], %swap3A_36 {strides = array<i32>} : memref<1x1x2000xi32, #tpu.memory_space<vmem>>, vector<1x1x2000xi32>,
    return
  }
  func.func @transform_0(%arg0: i32, %arg1: i32) -> (i32, i32, i32, i32) {
    %c0_i32 = arith.constant 0 : i32
    %c0_i32_0 = arith.constant 0 : i32
    %c0_i32_1 = arith.constant 0 : i32
    return %arg0, %arg1, %c0_i32, %c0_i32_0 : i32, i32, i32, i32
  }
  func.func @transform_1(%arg0: i32, %arg1: i32) -> (i32, i32, i32) {
    %c0_i32 = arith.constant 0 : i32
    %c0_i32_0 = arith.constant 0 : i32
    %c0_i32_1 = arith.constant 0 : i32
    return %arg0, %c0_i32, %c0_i32_0 : i32, i32, i32
  }
  func.func @transform_2(%arg0: i32, %arg1: i32) -> (i32, i32, i32) {
    %mul3A = arith.constant 4 : i32
    %mul3A_0 = arith.muli %arg0, %mul3A : i32
    %add3A = arith.addi %mul3A_0, %arg1 : i32
    %c0_i32 = arith.constant 0 : i32
    %c0_i32_1 = arith.constant 0 : i32
    %c0_i32_2 = arith.constant 0 : i32
    return %add3A, %c0_i32, %c0_i32_1 : i32, i32, i32
  }
}

module attributes {stable_mosaic.version = 14 : i64} {
  func.func @_proj_kernel(%arg0: i32, %arg1: memref<1x1024x1024xf32, #tpu.memory_space<vmem>>, %arg2: memref<1x512x1024xf32, #tpu.memory_space<vmem>>, %arg3: memref<1x1x512xf32, #tpu.memory_space<vmem>>, %arg4: memref<1x1024x512xf32, #tpu.memory_space<vmem>>) attributes {dimension_semantics = [#tpu.dimension_semantics<arbitrary>], iteration_bounds = array<i64: 2>, scalar_prefetch = 0 : i64, scratch_operands = 0 : i64, tpu.core_type = #tpu.core_type<tc>, window_params = [{transform_indices = @transform_0, window_bounds = array<i64: 1, 1024, 1024>}, {transform_indices = @transform_1, window_bounds = array<i64: 1, 512, 1024>}, {transform_indices = @transform_2, window_bounds = array<i64: 1, 1, 512>}, {transform_indices = @transform_3, window_bounds = array<i64: 1, 1024, 512>}]} {
    %get3A = arith.constant 0 : index
    %get3A_0 = arith.constant 0 : index
    %get3A_1 = arith.constant 0 : index
    %get3A_2 = vector.load %arg1[%get3A, %get3A_0, %get3A_1] : memref<1x1024x1024xf32, #tpu.memory_space<vmem>>, vector<1x1024x1024xf32>
    %get3A_3 = vector.shape_cast %get3A_2 : vector<1x1024x1024xf32> to vector<1024x1024xf32>
    %get3A_4 = arith.constant 0 : index
    %get3A_5 = arith.constant 0 : index
    %get3A_6 = arith.constant 0 : index
    %get3A_7 = vector.load %arg2[%get3A_4, %get3A_5, %get3A_6] : memref<1x512x1024xf32, #tpu.memory_space<vmem>>, vector<1x512x1024xf32>
    %get3A_8 = vector.shape_cast %get3A_7 : vector<1x512x1024xf32> to vector<512x1024xf32>
    %dot_general3A = arith.constant dense<0.000000e+00> : vector<1024x512xf32>
    %dot_general3A_9 = tpu.matmul %get3A_3, %get3A_8, %dot_general3A {dimension_numbers = #tpu.dot_dimension_numbers<[1], [1], [0], [0], [0, 0, 1, 0], [], []>, transpose_lhs_hint = false} : vector<1024x1024xf32>, vector<512x1024xf32>, vector<1024x512xf32> -> vector<1024x512xf32>
    %get3A_10 = arith.constant 0 : index
    %get3A_11 = arith.constant 0 : index
    %get3A_12 = arith.constant 0 : index
    %get3A_13 = vector.load %arg3[%get3A_10, %get3A_11, %get3A_12] : memref<1x1x512xf32, #tpu.memory_space<vmem>>, vector<1x1x512xf32>
    %get3A_14 = vector.shape_cast %get3A_13 : vector<1x1x512xf32> to vector<512xf32>
    %broadcast_in_dim3A = vector.shape_cast %get3A_14 : vector<512xf32> to vector<1x512xf32>
    %add3A = vector.broadcast %broadcast_in_dim3A : vector<1x512xf32> to vector<1024x512xf32>
    %add3A_15 = arith.addf %dot_general3A_9, %add3A : vector<1024x512xf32>
    %swap3A = arith.constant 0 : index
    %swap3A_16 = arith.constant 0 : index
    %swap3A_17 = arith.constant 0 : index
    %swap3A_18 = vector.load %arg4[%swap3A, %swap3A_16, %swap3A_17] : memref<1x1024x512xf32, #tpu.memory_space<vmem>>, vector<1x1024x512xf32>
    %swap3A_19 = vector.shape_cast %swap3A_18 : vector<1x1024x512xf32> to vector<1024x512xf32>
    %swap3A_20 = vector.shape_cast %add3A_15 : vector<1024x512xf32> to vector<1x1024x512xf32>
    tpu.vector_store %arg4[%swap3A, %swap3A_16, %swap3A_17], %swap3A_20 {strides = array<i32>} : memref<1x1024x512xf32, #tpu.memory_space<vmem>>, vector<1x1024x512xf32>,
    return
  }
  func.func @transform_0(%arg0: i32) -> (i32, i32, i32) {
    %c0_i32 = arith.constant 0 : i32
    %c0_i32_0 = arith.constant 0 : i32
    %c0_i32_1 = arith.constant 0 : i32
    return %arg0, %c0_i32, %c0_i32_0 : i32, i32, i32
  }
  func.func @transform_1(%arg0: i32) -> (i32, i32, i32) {
    %c0_i32 = arith.constant 0 : i32
    %c0_i32_0 = arith.constant 0 : i32
    %c0_i32_1 = arith.constant 0 : i32
    return %arg0, %c0_i32, %c0_i32_0 : i32, i32, i32
  }
  func.func @transform_2(%arg0: i32) -> (i32, i32, i32) {
    %c0_i32 = arith.constant 0 : i32
    %c0_i32_0 = arith.constant 0 : i32
    %c0_i32_1 = arith.constant 0 : i32
    return %arg0, %c0_i32, %c0_i32_0 : i32, i32, i32
  }
  func.func @transform_3(%arg0: i32) -> (i32, i32, i32) {
    %c0_i32 = arith.constant 0 : i32
    %c0_i32_0 = arith.constant 0 : i32
    %c0_i32_1 = arith.constant 0 : i32
    return %arg0, %c0_i32, %c0_i32_0 : i32, i32, i32
  }
}

</mosaic_0001>

<sc_bundles>
// kernel: kernel.5.cloned.1.call-start
scs
__scs_entry_jumppad:
0x0: {  	(pc) =	sbr.rel $0x88, $3  }
0x1: {  	(tag) =	ssettag $0x0;
	lr =	simm.s32 $0x1  }
0x2: {  	[smem:$0x3F9A] =	sst lr;
	_ =	strace $0xD0000000  }
0x3: {  	_ = 	snop  }
0x4: {  	_ = 	snop  }
0x5: {  	_ = 	snop  }
0x6: {  	_ = 	snop  }
0x7: {  	_ = 	snop  }
__scs_overlays_trampoline_lowered:
0x8: {  	[smem:$0x3FA9] =	sst s0  }
0x9: {  	[smem:$0x3FAA] =	sst s1  }
0xa: {  	[smem:$0x3FAB] =	sst s2  }
0xb: {  	[smem:$0x3FAC] =	sst s3  }
0xc: {  	[smem:$0x3FAD] =	sst s4  }
0xd: {  	[smem:$0x3FAE] =	sst s5  }
0xe: {  	[smem:$0x3FAF] =	sst s6  }
0xf: {  	[smem:$0x3FB0] =	sst s7  }
0x10: {  	[smem:$0x3FB1] =	sst s8  }
0x11: {  	[smem:$0x3FB2] =	sst s9;
	s0 =	simm.s32 @!p0 $0x0  }
0x12: {  	s1 =	sld [smem:$0x3F98];
	s0 =	simm.s32 @p0 $0x1  }
0x13: {  	[smem:$0x3FB3] =	sst s0;
	s0 =	simm.s32 @!p1 $0x0  }
0x14: {  	s2 =	sld [smem:$0x3F97];
	s0 =	simm.s32 @p1 $0x1  }
0x15: {  	[smem:$0x3FB4] =	sst s0;
	s0 =	simm.s32 @!p2 $0x0  }
0x16: {  	s3 =	sld [smem:$0x3FDB];
	s0 =	simm.s32 @p2 $0x1  }
0x17: {  	s4 =	simm.s32 $0x1BF5;
	[smem:$0x3FB6] =	sst s0  }
0x18: {  	s0 =	sld [smem:$0x3F99];
	_ =	swait.ge [sflag:s4], $0x0  }
0x19: {  	s7 =	sld [smem:$0x3F9A]  }
0x1a: {  	s8 =	sadd.s32 $0xFFFFE003, lr  }
0x1b: {  	s9 =	sadd.s32 $0xFFFFFEF7, lr;
	s5 =	simm.s32 $0xFFFFFFFF;
	p2 =	slt.u32 s8, $0xFFFFF086  }
0x1c: {  	p1 =	slt.u32 s9, $0xF7A;
	s5 =	simm.s32 @!p2 $0x0  }
0x1d: {  	s5 =	simm.s32 @p1 $0x1;
	p0 =	seq.s32 s7, s2  }
0x1e: {  	s7 =	smul.u32 @!p0 $0xF7A, s2;
	p2 =	seq.s32 @!p0 s5, $0x0  }
0x1f: {  	s9 =	smul.u32 $0xF7A, s1;
	s8 =	simm.s32 @!p0 $0x1BF5;
	p2 =	por !p2, p0  }
0x20: {  	[sflag:s8] =	ssyncset.s32 @!p0 $0xFFFFF086;
	s6 =	sadd.s32 @!p0 s3, s7;
	s7 =	simm.s32 @!p0 $0x108  }
0x21: {  	s3 =	sadd.s32 s3, s9;
	s6 =	sadd.s32 @!p0 $0x88, s6;
	s7 =	simm.s32 @p2 $0x1082  }
0x22: {  	[simem:s7], [sflag:s8] =	dma.local @!p0 [hbm:s6], $0xF7A  }
0x23: {  	s9 =	sor.u32 $0xD0000000, s2;
	s6 =	simm.s32 $0x108;
	_ =	swait.ge @!p0 [sflag:s8], $0x0  }
0x24: {  	s3 =	sadd.s32 $0x88, s3;
	s6 =	simm.s32 @!p1 $0x1082;
	[sflag:s4] =	ssyncset.s32 $0xFFFFF086  }
0x25: {  	[simem:s6], [sflag:s4] =	dma.local [hbm:s3], $0xF7A  }
0x26: {  	[smem:$0x3F9A] =	sst s1;
	(tag) =	ssettag s2;
	_ =	strace s9  }
0x27: {  	s1 =	sld [smem:$0x3FAA]  }
0x28: {  	s2 =	sld [smem:$0x3FAB]  }
0x29: {  	s4 =	sld [smem:$0x3FAD]  }
0x2a: {  	p0 =	seq.s32 s5, $0x0;
	s5 =	sld [smem:$0x3FAE]  }
0x2b: {  	s6 =	sld [smem:$0x3FAF]  }
0x2c: {  	s7 =	sld [smem:$0x3FB0]  }
0x2d: {  	s3 =	simm.s32 $0x108;
	s8 =	sld [smem:$0x3FB1]  }
0x2e: {  	s3 =	simm.s32 @!p0 $0x1082;
	s9 =	sld [smem:$0x3FB2]  }
0x2f: {  	lr =	sadd.s32 s0, s3;
	s0 =	sld [smem:$0x3FA9]  }
0x30: {  	s3 =	sld [smem:$0x3FAC]  }
0x31: {  	[smem:$0x3FB5] =	sst s10  }
0x32: {  	s10 =	sld [smem:$0x3FB3];
	_ =	sdelay $0x3  }
0x33: {  	p0 =	seq.s32 s10, $0x1;
	s10 =	sld [smem:$0x3FB5];
	_ =	sdelay $0x3  }
0x34: {  	[smem:$0x3FB5] =	sst s10  }
0x35: {  	s10 =	sld [smem:$0x3FB4];
	_ =	sdelay $0x3  }
0x36: {  	p1 =	seq.s32 s10, $0x1;
	s10 =	sld [smem:$0x3FB5];
	_ =	sdelay $0x3  }
0x37: {  	[smem:$0x3FB5] =	sst s10  }
0x38: {  	s10 =	sld [smem:$0x3FB6]  }
0x39: {  	_ = 	snop;
	(pc) =	sbr.ind lr, $3  }
0x3a: {  	_ = 	snop  }
0x3b: {  	_ = 	snop  }
0x3c: {  	p2 =	seq.s32 s10, $0x1;
	s10 =	sld [smem:$0x3FB5]  }
0x3d: {  	_ =	shalt  }
0x3e: {  	_ =	shalt  }
0x3f: {  	_ =	shalt  }
0x40: {  	_ =	shalt  }
0x41: {  	_ =	shalt  }
0x42: {  	_ =	shalt  }
0x43: {  	_ =	shalt  }
0x44: {  	_ =	shalt  }
0x45: {  	_ =	shalt  }
0x46: {  	_ =	shalt  }
0x47: {  	_ =	shalt  }
0x48: {  	_ =	shalt  }
0x49: {  	_ =	shalt  }
0x4a: {  	_ =	shalt  }
0x4b: {  	_ =	shalt  }
0x4c: {  	_ =	shalt  }
0x4d: {  	_ =	shalt  }
0x4e: {  	_ =	shalt  }
0x4f: {  	_ =	shalt  }
0x50: {  	_ =	shalt  }
0x51: {  	_ =	shalt  }
0x52: {  	_ =	shalt  }
0x53: {  	_ =	shalt  }
0x54: {  	_ =	shalt  }
0x55: {  	_ =	shalt  }
0x56: {  	_ =	shalt  }
0x57: {  	_ =	shalt  }
0x58: {  	_ =	shalt  }
0x59: {  	_ =	shalt  }
0x5a: {  	_ =	shalt  }
0x5b: {  	_ =	shalt  }
0x5c: {  	_ =	shalt  }
0x5d: {  	_ =	shalt  }
0x5e: {  	_ =	shalt  }
0x5f: {  	_ =	shalt  }
0x60: {  	_ =	shalt  }
0x61: {  	_ =	shalt  }
0x62: {  	_ =	shalt  }
0x63: {  	_ =	shalt  }
0x64: {  	_ =	shalt  }
0x65: {  	_ =	shalt  }
0x66: {  	_ =	shalt  }
0x67: {  	_ =	shalt  }
0x68: {  	_ =	shalt  }
0x69: {  	_ =	shalt  }
0x6a: {  	_ =	shalt  }
0x6b: {  	_ =	shalt  }
0x6c: {  	_ =	shalt  }
0x6d: {  	_ =	shalt  }
0x6e: {  	_ =	shalt  }
0x6f: {  	_ =	shalt  }
0x70: {  	_ =	shalt  }
0x71: {  	_ =	shalt  }
0x72: {  	_ =	shalt  }
0x73: {  	_ =	shalt  }
0x74: {  	_ =	shalt  }
0x75: {  	_ =	shalt  }
0x76: {  	_ =	shalt  }
0x77: {  	_ =	shalt  }
0x78: {  	_ =	shalt  }
0x79: {  	_ =	shalt  }
0x7a: {  	_ =	shalt  }
0x7b: {  	_ =	shalt  }
0x7c: {  	_ =	shalt  }
0x7d: {  	_ =	shalt  }
0x7e: {  	_ =	shalt  }
0x7f: {  	_ =	shalt  }
0x80: {  	_ =	shalt  }
0x81: {  	_ =	shalt  }
0x82: {  	_ =	shalt  }
0x83: {  	_ =	shalt  }
0x84: {  	_ =	shalt  }
0x85: {  	_ =	shalt  }
0x86: {  	_ =	shalt  }
0x87: {  	_ =	shalt  }
.Lfunc_end0:
.L_simem_size_0:
called_computation_lowered:
.L_overlay_start_0:
0x88: {  	s2 =	sld [smem:$0x3FD9]  }
0x89: {  	s3 =	sld [smem:$0x3FFE];
	_ =	sdelay $0x1  }
0x8a: {  	s1 =	srdreg.scid  }
0x8b: {  	s0 =	sand.u32 $0x1, s1  }
0x8c: {  	s14 =	sshll.u32 s0, $0xA;
	s2 =	sadd.s32 s3, s2  }
0x8d: {  	s2 =	sadd.s32 s2, s14  }
0x8e: {  	[smem:$0x3FC1] =	sst s2  }
0x8f: {  	_ = 	snop  }
0x90: {  	s2 =	sld [smem:$0x3FD0];
	_ =	sdelay $0x2  }
0x91: {  	s15 =	simm.s32 $0xA;
	s4 =	simm.s32 $0x10  }
0x92: {  	[smem:s4], [sflag:s15] =	dma.local [hbm:s2], $0x1  }
0x93: {  	_ =	swait.eq [sflag:s15], $0x1  }
0x94: {  	[sflag:s15] =	ssyncset.done $0x0  }
0x95: {  	[sflag:s15] =	ssyncadd.s32 $0xFFFFFFFF  }
0x96: {  	s16 =	sld [smem:$0x11];
	(tm) =	ssettm $0x1  }
0x97: {  	s17 =	sld [smem:$0x3FFB];
	_ =	sdelay $0x3  }
0x98: {  	_ =	strace s17  }
0x99: {  	s3 =	sld [smem:$0x3FFC];
	_ =	sdelay $0x3  }
0x9a: {  	_ =	strace s3  }
0x9b: {  	s3 =	sld [smem:$0x3FFD];
	_ =	sdelay $0x3  }
0x9c: {  	_ =	strace s3  }
0x9d: {  	_ =	strace $0x8FFFFFFF  }
0x9e: {  	s18 =	sld [smem:$0x3FDB];
	_ =	sdelay $0x1  }
0x9f: {  	s19 =	simm.s32 $_scs_section_size  }
0xa0: {  	s5 =	simm.s32 $_size__tile_overlayer_lowered;
	s6 =	simm.s32 $_tile_overlayer_lowered  }
0xa1: {  	s22 =	simm.s32 $0x1BFF;
	s21 =	sshll.u32 s6, $0x1;
	s3 =	sadd.s32 s19, s18  }
0xa2: {  	s7 =	simm.s32 $0x0;
	s20 =	sshll.u32 s5, $0x1;
	s5 =	sadd.s32 s21, s3  }
0xa3: {  	[timem:s7], [sflag:s22] =	dma.local [hbm:s5], s20  }
0xa4: {  	_ =	swait.ge [sflag:s22], s20  }
0xa5: {  	s4 =	ssub.s32 $0x0, s20;
	[sflag:s22] =	ssyncset.done $0x0  }
0xa6: {  	[sflag:s22] =	ssyncadd.s32 s4;
	_ =	sdelay $0x1  }
0xa7: {  	s23 =	simm.s32 $0x1B8B  }
0xa8: {  	_ =	swait.ge [sflag:s23], $0x1  }
0xa9: {  	[sflag:s23] =	ssyncset.done $0x0  }
0xaa: {  	s25 =	simm.s32 $0x1B8E;
	s24 =	sld [smem:$0x3FFE];
	[sflag:s23] =	ssyncadd.s32 $0xFFFFFFFF  }
0xab: {  	s26 =	simm.s32 $execute0_lowered;
	[smem:$0x3FD2] =	sst s25  }
0xac: {  	s5 =	sshll.u32 s26, $0x1;
	_ =	strace $0x80000046;
	[dreg:$0x1] =	wrdreg $0xFFFFFFFF  }
0xad: {  	s28 =	simm.s32 $_size_execute0_lowered;
	s3 =	sadd.s32 s3, s5;
	[dreg:$0x0] =	wrdreg $0x0  }
0xae: {  	s5 =	sshll.u32 s28, $0x1;
	[dreg:$0x2] =	wrdreg s3  }
0xaf: {  	[dreg:$0x3] =	wrdreg s5  }
0xb0: {  	[dreg:$0x4] =	wrdreg $0xC0  }
0xb1: {  	_ =	task [dreg:s7], $0x5FFFF  }
0xb2: {  	[dreg:$0x1] =	wrdreg $0xFFFFFFFF  }
0xb3: {  	[dreg:$0x0] =	wrdreg $0x60  }
0xb4: {  	[dreg:$0x2] =	wrdreg s24  }
0xb5: {  	[dreg:$0x3] =	wrdreg s16  }
0xb6: {  	[dreg:$0x4] =	wrdreg $0x9  }
0xb7: {  	_ =	task.clear_ibuf [dreg:s7], $0x5FFFF;
	_ =	strace $0x90000046  }
0xb8: {  	s29 =	simm.s32 $0x9;
	_ =	strace $0x80000048  }
0xb9: {  	_ =	swait.ge [sflag:s29], $0x1  }
0xba: {  	[sflag:s29] =	ssyncadd.s32 $0xFFFFFFFF  }
0xbb: {  	_ =	strace $0x90000048  }
0xbc: {  	_ =	sfence  }
0xbd: {  	s30 =	sld [smem:$0x0];
	_ =	sdelay $0x2  }
0xbe: {  	s31 =	sshll.u32 s1, $0xD;
	s1 =	sshrl.u32 s1, $0x2  }
0xbf: {  	s3 =	sand.u32 $0x4000, s31;
	s1 =	sadd.s32 s1, s30  }
0xc0: {  	s0 =	sor.u32 s3, s0;
	s1 =	sshll.u32 s1, $0x11  }
0xc1: {  	s0 =	sor.u32 s1, s0  }
0xc2: {  	s0 =	sadd.s32 $0x8F2B, s0  }
0xc3: {  	[sflag:s0] =	ssyncadd.remote.s32 $0x1  }
0xc4: {  	_ =	sfence.sel $0xFFFF  }
0xc5: {  	[dreg:$0x0] =	wrdreg $0xFFFFFFFF;
	(pc) =	sbr.abs _section_cstart, $3  }
0xc6: {  	[dreg:$0x1] =	wrdreg $0xFFFFFFFF  }
0xc7: {  	_ =	task.clear_ibuf [dreg:s7], $0x2FFFF;
	_ =	strace $0x9FFFFFFF  }
0xc8: {  	(tm) =	ssettm $0x7FFFFFFF  }
0xc9: {  	_ =	shalt  }
tec
execute0_lowered:
.L_overlay_start_1:
0x0: {  	(tag) =	ssettag $0x1  }
0x1: {  	s4 =	rddreg [dreg:$0x0]  }
0x2: {  	s11 =	rddreg [dreg:$0x1]  }
0x3: {  	s3 =	srdreg.scid;
	s0 =	stileid.u32  }
0x4: {  	s2 =	simm.s32 $0x0;
	s29 =	sand.u32 $0x1, s3;
	s23 =	sshll.u32 s0, $0x1  }
0x5: {  	[smem:$0x7FF] =	sst s2;
	s25 =	sadd.s32 $0x20C00, s4;
	s26 =	sor.u32 s29, s23  }
0x6: {  	_ =	strace $0x80000047;
	s3 =	sshll.u32 s26, $0x4;
	s23 =	sshll.u32 s26, $0x7  }
0x7: {  	s5 =	sshll.u32 s26, $0xB;
	s3 =	sadd.s32 s25, s3;
	s6 =	sor.u32 $0x1000, s23  }
0x8: {  	s24 =	sadd.s32 s11, s5;
	s9 =	sor.u32 $0x2000, s23;
	s12 =	sor.u32 $0x3000, s23  }
0x9: {  	s20 =	sor.u32 $0x5000, s23;
	[dreg:$0x3] =	wrdreg s3;
	s1 =	sshrl.u32 s6, $0x3  }
0xa: {  	[dreg:$0x4] =	wrdreg s24;
	s7 =	sshll.u32 s6, $0x4;
	s5 =	sadd.s32 s25, s1  }
0xb: {  	s10 =	sshrl.u32 s9, $0x3;
	s8 =	sadd.s32 s11, s7;
	[dreg:$0x5] =	wrdreg s5  }
0xc: {  	s14 =	sshrl.u32 s12, $0x3;
	s3 =	sadd.s32 s25, s10;
	[dreg:$0x6] =	wrdreg s8  }
0xd: {  	s16 =	sshll.u32 s12, $0x4;
	s15 =	sadd.s32 s25, s14;
	[dreg:$0x7] =	wrdreg s3  }
0xe: {  	s22 =	sshrl.u32 s20, $0x3;
	s17 =	sadd.s32 s11, s16;
	[dreg:$0x9] =	wrdreg s15  }
0xf: {  	s18 =	sor.u32 $0x4000, s23;
	s24 =	sadd.s32 s25, s22;
	[dreg:$0xa] =	wrdreg s17  }
0x10: {  	s19 =	sshrl.u32 s18, $0x3;
	s1 =	sshll.u32 s20, $0x4;
	[dreg:$0xd] =	wrdreg s24  }
0x11: {  	s5 =	sshll.u32 s9, $0x4;
	s3 =	sadd.s32 s25, s19;
	s9 =	rddreg [dreg:$0x3]  }
0x12: {  	s7 =	sor.u32 $0x6000, s23;
	s6 =	sadd.s32 s11, s1;
	[dreg:$0xb] =	wrdreg s3  }
0x13: {  	s8 =	sshrl.u32 s7, $0x3;
	s13 =	sadd.s32 s11, s5;
	[dreg:$0xe] =	wrdreg s6  }
0x14: {  	[tilespmem:s2], [sflag:$0x3] =	stream.linear.gather [hbm4b:s9+s2], $0x80, $0x38;
	[tilespmem:$0x8080] =	vst v63  }
0x15: {  	s5 =	sshll.u32 s18, $0x4;
	s3 =	sadd.s32 s25, s8;
	[dreg:$0x8] =	wrdreg s13  }
0x16: {  	s21 =	sadd.s32 s11, s5;
	s5 =	sshll.u32 s7, $0x4;
	[dreg:$0xf] =	wrdreg s3  }
0x17: {  	[dreg:$0xc] =	wrdreg s21;
	s10 =	sadd.s32 s11, s5  }
0x18: {  	s3 =	simm.s32 $0x3;
	[dreg:$0x10] =	wrdreg s10  }
0x19: {  	_ =	swait.ge [sflag:s3], $0x80  }
0x1a: {  	s4 =	sadd.s32 $0xC00, s4;
	[sflag:s3] =	ssyncset.done $0x0  }
0x1b: {  	s6 =	simm.s32 $0x1;
	s5 =	simm.s32 $0x80;
	[sflag:s3] =	ssyncadd.s32 $0xFFFFFF80  }
0x1c: {  	[tilespmem:s5], [sflag:$0x1] =	stream.indirect.gather [hbm4b:s4+s5], $0x80, s2, s5, $0xb8;
	[tilespmem:$0x8080] =	vst v63  }
0x1d: {  	_ =	swait.ge [sflag:s6], $0x4000  }
0x1e: {  	[sflag:s6] =	ssyncset.done $0x0  }
0x1f: {  	s7 =	rddreg [dreg:$0x4];
	[sflag:s6] =	ssyncadd.s32 $0xFFFFC000  }
0x20: {  	[hbm4b:s7+s2] =	stream.linear.scatter [tilespmem:s5], [sflag:$0x2], $0x4000, $0x38;
	[tilespmem:$0x8080] =	vst v63  }
0x21: {  	s8 =	rddreg [dreg:$0x5]  }
0x22: {  	[tilespmem:s2], [sflag:$0x3] =	stream.linear.gather [hbm4b:s8+s2], $0x80, $0x38;
	[tilespmem:$0x8080] =	vst v63  }
0x23: {  	_ =	swait.ge [sflag:s3], $0x80  }
0x24: {  	[sflag:s3] =	ssyncset.done $0x0  }
0x25: {  	s7 =	simm.s32 $0x4080;
	[sflag:s3] =	ssyncadd.s32 $0xFFFFFF80  }
0x26: {  	[tilespmem:s7], [sflag:$0x1] =	stream.indirect.gather [hbm4b:s4+s5], $0x80, s2, s5, $0xb8;
	[tilespmem:$0x8080] =	vst v63  }
0x27: {  	_ =	swait.ge [sflag:s6], $0x4000  }
0x28: {  	[sflag:s6] =	ssyncset.done $0x0  }
0x29: {  	s8 =	simm.s32 $0x2;
	s9 =	rddreg [dreg:$0x6];
	[sflag:s6] =	ssyncadd.s32 $0xFFFFC000  }
0x2a: {  	[hbm4b:s9+s2] =	stream.linear.scatter [tilespmem:s7], [sflag:$0x2], $0x4000, $0x38;
	[tilespmem:$0x8080] =	vst v63  }
0x2b: {  	_ =	swait.ge [sflag:s8], $0x4000  }
0x2c: {  	[sflag:s8] =	ssyncset.done $0x0  }
0x2d: {  	s12 =	rddreg [dreg:$0x7];
	[sflag:s8] =	ssyncadd.s32 $0xFFFFC000  }
0x2e: {  	[tilespmem:s2], [sflag:$0x3] =	stream.linear.gather [hbm4b:s12+s2], $0x80, $0x38;
	[tilespmem:$0x8080] =	vst v63  }
0x2f: {  	_ =	swait.ge [sflag:s3], $0x80  }
0x30: {  	[sflag:s3] =	ssyncset.done $0x0  }
0x31: {  	[sflag:s3] =	ssyncadd.s32 $0xFFFFFF80  }
0x32: {  	[tilespmem:s5], [sflag:$0x1] =	stream.indirect.gather [hbm4b:s4+s5], $0x80, s2, s5, $0xb8;
	[tilespmem:$0x8080] =	vst v63  }
0x33: {  	_ =	swait.ge [sflag:s6], $0x4000  }
0x34: {  	[sflag:s6] =	ssyncset.done $0x0  }
0x35: {  	s13 =	rddreg [dreg:$0x8];
	[sflag:s6] =	ssyncadd.s32 $0xFFFFC000  }
0x36: {  	[hbm4b:s13+s2] =	stream.linear.scatter [tilespmem:s5], [sflag:$0x2], $0x4000, $0x38;
	[tilespmem:$0x8080] =	vst v63  }
0x37: {  	_ =	swait.ge [sflag:s8], $0x4000  }
0x38: {  	[sflag:s8] =	ssyncset.done $0x0  }
0x39: {  	s14 =	rddreg [dreg:$0x9];
	[sflag:s8] =	ssyncadd.s32 $0xFFFFC000  }
0x3a: {  	[tilespmem:s2], [sflag:$0x3] =	stream.linear.gather [hbm4b:s14+s2], $0x80, $0x38;
	[tilespmem:$0x8080] =	vst v63  }
0x3b: {  	_ =	swait.ge [sflag:s3], $0x80  }
0x3c: {  	[sflag:s3] =	ssyncset.done $0x0  }
0x3d: {  	[sflag:s3] =	ssyncadd.s32 $0xFFFFFF80  }
0x3e: {  	[tilespmem:s7], [sflag:$0x1] =	stream.indirect.gather [hbm4b:s4+s5], $0x80, s2, s5, $0xb8;
	[tilespmem:$0x8080] =	vst v63  }
0x3f: {  	_ =	swait.ge [sflag:s6], $0x4000  }
0x40: {  	[sflag:s6] =	ssyncset.done $0x0  }
0x41: {  	s15 =	rddreg [dreg:$0xa];
	[sflag:s6] =	ssyncadd.s32 $0xFFFFC000  }
0x42: {  	[hbm4b:s15+s2] =	stream.linear.scatter [tilespmem:s7], [sflag:$0x2], $0x4000, $0x38;
	[tilespmem:$0x8080] =	vst v63  }
0x43: {  	_ =	swait.ge [sflag:s8], $0x4000  }
0x44: {  	[sflag:s8] =	ssyncset.done $0x0  }
0x45: {  	s16 =	rddreg [dreg:$0xb];
	[sflag:s8] =	ssyncadd.s32 $0xFFFFC000  }
0x46: {  	[tilespmem:s2], [sflag:$0x3] =	stream.linear.gather [hbm4b:s16+s2], $0x80, $0x38;
	[tilespmem:$0x8080] =	vst v63  }
0x47: {  	_ =	swait.ge [sflag:s3], $0x80  }
0x48: {  	[sflag:s3] =	ssyncset.done $0x0  }
0x49: {  	[sflag:s3] =	ssyncadd.s32 $0xFFFFFF80  }
0x4a: {  	[tilespmem:s5], [sflag:$0x1] =	stream.indirect.gather [hbm4b:s4+s5], $0x80, s2, s5, $0xb8;
	[tilespmem:$0x8080] =	vst v63  }
0x4b: {  	_ =	swait.ge [sflag:s6], $0x4000  }
0x4c: {  	[sflag:s6] =	ssyncset.done $0x0  }
0x4d: {  	s17 =	rddreg [dreg:$0xc];
	[sflag:s6] =	ssyncadd.s32 $0xFFFFC000  }
0x4e: {  	[hbm4b:s17+s2] =	stream.linear.scatter [tilespmem:s5], [sflag:$0x2], $0x4000, $0x38;
	[tilespmem:$0x8080] =	vst v63  }
0x4f: {  	_ =	swait.ge [sflag:s8], $0x4000  }
0x50: {  	[sflag:s8] =	ssyncset.done $0x0  }
0x51: {  	s18 =	rddreg [dreg:$0xd];
	[sflag:s8] =	ssyncadd.s32 $0xFFFFC000  }
0x52: {  	[tilespmem:s2], [sflag:$0x3] =	stream.linear.gather [hbm4b:s18+s2], $0x80, $0x38;
	[tilespmem:$0x8080] =	vst v63  }
0x53: {  	_ =	swait.ge [sflag:s3], $0x80  }
0x54: {  	[sflag:s3] =	ssyncset.done $0x0  }
0x55: {  	[sflag:s3] =	ssyncadd.s32 $0xFFFFFF80  }
0x56: {  	[tilespmem:s7], [sflag:$0x1] =	stream.indirect.gather [hbm4b:s4+s5], $0x80, s2, s5, $0xb8;
	[tilespmem:$0x8080] =	vst v63  }
0x57: {  	_ =	swait.ge [sflag:s6], $0x4000  }
0x58: {  	[sflag:s6] =	ssyncset.done $0x0  }
0x59: {  	s19 =	rddreg [dreg:$0xe];
	[sflag:s6] =	ssyncadd.s32 $0xFFFFC000  }
0x5a: {  	[hbm4b:s19+s2] =	stream.linear.scatter [tilespmem:s7], [sflag:$0x2], $0x4000, $0x38;
	[tilespmem:$0x8080] =	vst v63  }
0x5b: {  	_ =	swait.ge [sflag:s8], $0x4000  }
0x5c: {  	[sflag:s8] =	ssyncset.done $0x0  }
0x5d: {  	s20 =	rddreg [dreg:$0xf];
	[sflag:s8] =	ssyncadd.s32 $0xFFFFC000  }
0x5e: {  	[tilespmem:s2], [sflag:$0x3] =	stream.linear.gather [hbm4b:s20+s2], $0x80, $0x38;
	[tilespmem:$0x8080] =	vst v63  }
0x5f: {  	_ =	swait.ge [sflag:s3], $0x80  }
0x60: {  	[sflag:s3] =	ssyncset.done $0x0  }
0x61: {  	[sflag:s3] =	ssyncadd.s32 $0xFFFFFF80  }
0x62: {  	[tilespmem:s5], [sflag:$0x1] =	stream.indirect.gather [hbm4b:s4+s5], $0x80, s2, s5, $0xb8;
	[tilespmem:$0x8080] =	vst v63  }
0x63: {  	_ =	swait.ge [sflag:s6], $0x4000  }
0x64: {  	[sflag:s6] =	ssyncset.done $0x0  }
0x65: {  	s10 =	sor.u32 $0x7000, s23;
	s21 =	rddreg [dreg:$0x10];
	[sflag:s6] =	ssyncadd.s32 $0xFFFFC000  }
0x66: {  	[hbm4b:s21+s2] =	stream.linear.scatter [tilespmem:s5], [sflag:$0x2], $0x4000, $0x38;
	[tilespmem:$0x8080] =	vst v63  }
0x67: {  	s22 =	sshrl.u32 s10, $0x3;
	_ =	swait.ge [sflag:s8], $0x4000  }
0x68: {  	s1 =	sadd.s32 s25, s22;
	[sflag:s8] =	ssyncset.done $0x0  }
0x69: {  	[dreg:$0x11] =	wrdreg s1;
	[sflag:s8] =	ssyncadd.s32 $0xFFFFC000  }
0x6a: {  	[tilespmem:s2], [sflag:$0x3] =	stream.linear.gather [hbm4b:s1+s2], $0x80, $0x38;
	[tilespmem:$0x8080] =	vst v63  }
0x6b: {  	_ =	swait.ge [sflag:s3], $0x80  }
0x6c: {  	[sflag:s3] =	ssyncset.done $0x0  }
0x6d: {  	[sflag:s3] =	ssyncadd.s32 $0xFFFFFF80  }
0x6e: {  	[tilespmem:s7], [sflag:$0x1] =	stream.indirect.gather [hbm4b:s4+s5], $0x80, s2, s5, $0xb8;
	[tilespmem:$0x8080] =	vst v63  }
0x6f: {  	_ =	swait.ge [sflag:s6], $0x4000  }
0x70: {  	s10 =	sshll.u32 s10, $0x4;
	[sflag:s6] =	ssyncset.done $0x0  }
0x71: {  	s10 =	sadd.s32 s11, s10;
	[sflag:s6] =	ssyncadd.s32 $0xFFFFC000  }
0x72: {  	[hbm4b:s10+s2] =	stream.linear.scatter [tilespmem:s7], [sflag:$0x2], $0x4000, $0x38;
	[tilespmem:$0x8080] =	vst v63  }
0x73: {  	s12 =	sor.u32 $0x8000, s23;
	_ =	swait.ge [sflag:s8], $0x4000  }
0x74: {  	s24 =	sshrl.u32 s12, $0x3;
	[sflag:s8] =	ssyncset.done $0x0  }
0x75: {  	s9 =	smov.u32 s11;
	s11 =	sadd.s32 s25, s24;
	[sflag:s8] =	ssyncadd.s32 $0xFFFFC000  }
0x76: {  	[tilespmem:s2], [sflag:$0x3] =	stream.linear.gather [hbm4b:s11+s2], $0x80, $0x38;
	[tilespmem:$0x8080] =	vst v63  }
0x77: {  	_ =	swait.ge [sflag:s3], $0x80  }
0x78: {  	[sflag:s3] =	ssyncset.done $0x0  }
0x79: {  	[sflag:s3] =	ssyncadd.s32 $0xFFFFFF80  }
0x7a: {  	[tilespmem:s5], [sflag:$0x1] =	stream.indirect.gather [hbm4b:s4+s5], $0x80, s2, s5, $0xb8;
	[tilespmem:$0x8080] =	vst v63  }
0x7b: {  	_ =	swait.ge [sflag:s6], $0x4000  }
0x7c: {  	s12 =	sshll.u32 s12, $0x4;
	[sflag:s6] =	ssyncset.done $0x0  }
0x7d: {  	s12 =	sadd.s32 s9, s12;
	[sflag:s6] =	ssyncadd.s32 $0xFFFFC000  }
0x7e: {  	[hbm4b:s12+s2] =	stream.linear.scatter [tilespmem:s5], [sflag:$0x2], $0x4000, $0x38;
	[tilespmem:$0x8080] =	vst v63  }
0x7f: {  	s14 =	sor.u32 $0x9000, s23;
	_ =	swait.ge [sflag:s8], $0x4000  }
0x80: {  	s13 =	sshrl.u32 s14, $0x3;
	[sflag:s8] =	ssyncset.done $0x0  }
0x81: {  	s13 =	sadd.s32 s25, s13;
	[sflag:s8] =	ssyncadd.s32 $0xFFFFC000  }
0x82: {  	[tilespmem:s2], [sflag:$0x3] =	stream.linear.gather [hbm4b:s13+s2], $0x80, $0x38;
	[tilespmem:$0x8080] =	vst v63  }
0x83: {  	_ =	swait.ge [sflag:s3], $0x80  }
0x84: {  	[sflag:s3] =	ssyncset.done $0x0  }
0x85: {  	[sflag:s3] =	ssyncadd.s32 $0xFFFFFF80  }
0x86: {  	[tilespmem:s7], [sflag:$0x1] =	stream.indirect.gather [hbm4b:s4+s5], $0x80, s2, s5, $0xb8;
	[tilespmem:$0x8080] =	vst v63  }
0x87: {  	_ =	swait.ge [sflag:s6], $0x4000  }
0x88: {  	s14 =	sshll.u32 s14, $0x4;
	[sflag:s6] =	ssyncset.done $0x0  }
0x89: {  	s14 =	sadd.s32 s9, s14;
	[sflag:s6] =	ssyncadd.s32 $0xFFFFC000  }
0x8a: {  	[hbm4b:s14+s2] =	stream.linear.scatter [tilespmem:s7], [sflag:$0x2], $0x4000, $0x38;
	[tilespmem:$0x8080] =	vst v63  }
0x8b: {  	s16 =	sor.u32 $0xA000, s23;
	_ =	swait.ge [sflag:s8], $0x4000  }
0x8c: {  	s15 =	sshrl.u32 s16, $0x3;
	[sflag:s8] =	ssyncset.done $0x0  }
0x8d: {  	s15 =	sadd.s32 s25, s15;
	[sflag:s8] =	ssyncadd.s32 $0xFFFFC000  }
0x8e: {  	[tilespmem:s2], [sflag:$0x3] =	stream.linear.gather [hbm4b:s15+s2], $0x80, $0x38;
	[tilespmem:$0x8080] =	vst v63  }
0x8f: {  	_ =	swait.ge [sflag:s3], $0x80  }
0x90: {  	[sflag:s3] =	ssyncset.done $0x0  }
0x91: {  	[sflag:s3] =	ssyncadd.s32 $0xFFFFFF80  }
0x92: {  	[tilespmem:s5], [sflag:$0x1] =	stream.indirect.gather [hbm4b:s4+s5], $0x80, s2, s5, $0xb8;
	[tilespmem:$0x8080] =	vst v63  }
0x93: {  	_ =	swait.ge [sflag:s6], $0x4000  }
0x94: {  	s16 =	sshll.u32 s16, $0x4;
	[sflag:s6] =	ssyncset.done $0x0  }
0x95: {  	s16 =	sadd.s32 s9, s16;
	[sflag:s6] =	ssyncadd.s32 $0xFFFFC000  }
0x96: {  	[hbm4b:s16+s2] =	stream.linear.scatter [tilespmem:s5], [sflag:$0x2], $0x4000, $0x38;
	[tilespmem:$0x8080] =	vst v63  }
0x97: {  	s18 =	sor.u32 $0xB000, s23;
	_ =	swait.ge [sflag:s8], $0x4000  }
0x98: {  	s17 =	sshrl.u32 s18, $0x3;
	[sflag:s8] =	ssyncset.done $0x0  }
0x99: {  	s17 =	sadd.s32 s25, s17;
	[sflag:s8] =	ssyncadd.s32 $0xFFFFC000  }
0x9a: {  	[tilespmem:s2], [sflag:$0x3] =	stream.linear.gather [hbm4b:s17+s2], $0x80, $0x38;
	[tilespmem:$0x8080] =	vst v63  }
0x9b: {  	_ =	swait.ge [sflag:s3], $0x80  }
0x9c: {  	[sflag:s3] =	ssyncset.done $0x0  }
0x9d: {  	[sflag:s3] =	ssyncadd.s32 $0xFFFFFF80  }
0x9e: {  	[tilespmem:s7], [sflag:$0x1] =	stream.indirect.gather [hbm4b:s4+s5], $0x80, s2, s5, $0xb8;
	[tilespmem:$0x8080] =	vst v63  }
0x9f: {  	_ =	swait.ge [sflag:s6], $0x4000  }
0xa0: {  	s18 =	sshll.u32 s18, $0x4;
	[sflag:s6] =	ssyncset.done $0x0  }
0xa1: {  	s18 =	sadd.s32 s9, s18;
	[sflag:s6] =	ssyncadd.s32 $0xFFFFC000  }
0xa2: {  	[hbm4b:s18+s2] =	stream.linear.scatter [tilespmem:s7], [sflag:$0x2], $0x4000, $0x38;
	[tilespmem:$0x8080] =	vst v63  }
0xa3: {  	s20 =	sor.u32 $0xC000, s23;
	_ =	swait.ge [sflag:s8], $0x4000  }
0xa4: {  	s19 =	sshrl.u32 s20, $0x3;
	[sflag:s8] =	ssyncset.done $0x0  }
0xa5: {  	s19 =	sadd.s32 s25, s19;
	[sflag:s8] =	ssyncadd.s32 $0xFFFFC000  }
0xa6: {  	[tilespmem:s2], [sflag:$0x3] =	stream.linear.gather [hbm4b:s19+s2], $0x80, $0x38;
	[tilespmem:$0x8080] =	vst v63  }
0xa7: {  	_ =	swait.ge [sflag:s3], $0x80  }
0xa8: {  	[sflag:s3] =	ssyncset.done $0x0  }
0xa9: {  	[sflag:s3] =	ssyncadd.s32 $0xFFFFFF80  }
0xaa: {  	[tilespmem:s5], [sflag:$0x1] =	stream.indirect.gather [hbm4b:s4+s5], $0x80, s2, s5, $0xb8;
	[tilespmem:$0x8080] =	vst v63  }
0xab: {  	_ =	swait.ge [sflag:s6], $0x4000  }
0xac: {  	s20 =	sshll.u32 s20, $0x4;
	[sflag:s6] =	ssyncset.done $0x0  }
0xad: {  	s20 =	sadd.s32 s9, s20;
	[sflag:s6] =	ssyncadd.s32 $0xFFFFC000  }
0xae: {  	[hbm4b:s20+s2] =	stream.linear.scatter [tilespmem:s5], [sflag:$0x2], $0x4000, $0x38;
	[tilespmem:$0x8080] =	vst v63  }
0xaf: {  	s22 =	sor.u32 $0xD000, s23;
	_ =	swait.ge [sflag:s8], $0x4000  }
0xb0: {  	s21 =	sshrl.u32 s22, $0x3;
	[sflag:s8] =	ssyncset.done $0x0  }
0xb1: {  	s21 =	sadd.s32 s25, s21;
	[sflag:s8] =	ssyncadd.s32 $0xFFFFC000  }
0xb2: {  	[tilespmem:s2], [sflag:$0x3] =	stream.linear.gather [hbm4b:s21+s2], $0x80, $0x38;
	[tilespmem:$0x8080] =	vst v63  }
0xb3: {  	_ =	swait.ge [sflag:s3], $0x80  }
0xb4: {  	[sflag:s3] =	ssyncset.done $0x0  }
0xb5: {  	[sflag:s3] =	ssyncadd.s32 $0xFFFFFF80  }
0xb6: {  	[tilespmem:s7], [sflag:$0x1] =	stream.indirect.gather [hbm4b:s4+s5], $0x80, s2, s5, $0xb8;
	[tilespmem:$0x8080] =	vst v63  }
0xb7: {  	_ =	swait.ge [sflag:s6], $0x4000  }
0xb8: {  	s22 =	sshll.u32 s22, $0x4;
	[sflag:s6] =	ssyncset.done $0x0  }
0xb9: {  	s22 =	sadd.s32 s9, s22;
	[sflag:s6] =	ssyncadd.s32 $0xFFFFC000  }
0xba: {  	[hbm4b:s22+s2] =	stream.linear.scatter [tilespmem:s7], [sflag:$0x2], $0x4000, $0x38;
	[tilespmem:$0x8080] =	vst v63  }
0xbb: {  	s24 =	sor.u32 $0xE000, s23;
	_ =	swait.ge [sflag:s8], $0x4000  }
0xbc: {  	s23 =	sshrl.u32 s24, $0x3;
	[sflag:s8] =	ssyncset.done $0x0  }
0xbd: {  	s23 =	sadd.s32 s25, s23;
	[sflag:s8] =	ssyncadd.s32 $0xFFFFC000  }
0xbe: {  	[tilespmem:s2], [sflag:$0x3] =	stream.linear.gather [hbm4b:s23+s2], $0x80, $0x38;
	[tilespmem:$0x8080] =	vst v63  }
0xbf: {  	_ =	swait.ge [sflag:s3], $0x80  }
0xc0: {  	[sflag:s3] =	ssyncset.done $0x0  }
0xc1: {  	[sflag:s3] =	ssyncadd.s32 $0xFFFFFF80  }
0xc2: {  	[tilespmem:s5], [sflag:$0x1] =	stream.indirect.gather [hbm4b:s4+s5], $0x80, s2, s5, $0xb8;
	[tilespmem:$0x8080] =	vst v63  }
0xc3: {  	_ =	swait.ge [sflag:s6], $0x4000  }
0xc4: {  	s24 =	sshll.u32 s24, $0x4;
	[sflag:s6] =	ssyncset.done $0x0  }
0xc5: {  	s24 =	sadd.s32 s9, s24;
	[sflag:s6] =	ssyncadd.s32 $0xFFFFC000  }
0xc6: {  	[hbm4b:s24+s2] =	stream.linear.scatter [tilespmem:s5], [sflag:$0x2], $0x4000, $0x38;
	[tilespmem:$0x8080] =	vst v63  }
0xc7: {  	_ =	swait.ge [sflag:s8], $0x4000  }
0xc8: {  	p0 =	sgt.u32 s0, $0x9;
	[sflag:s8] =	ssyncset.done $0x0  }
0xc9: {  	s28 =	simm.s32 @!p0 $0x0;
	s31 =	sor.u32 $0x1E0, s26;
	[sflag:s8] =	ssyncadd.s32 $0xFFFFC000  }
0xca: {  	s26 =	sshll.u32 s31, $0x4;
	s1 =	ssub.s32 $0x2, s29;
	_ =	swait.ge [sflag:s8], $0x4000  }
0xcb: {  	s26 =	sadd.s32 s25, s26;
	s0 =	sshrl.u32 s1, $0x1;
	[sflag:s8] =	ssyncset.done $0x0  }
0xcc: {  	s25 =	simm.s32 @!p0 $0x3;
	s0 =	ssub.s32 s1, s0;
	[sflag:s8] =	ssyncadd.s32 $0xFFFFC000  }
0xcd: {  	[tilespmem:s28], [sflag:$0x3] =	stream.linear.gather @!p0 [hbm4b:s26+s28], $0x80, $0x38;
	[tilespmem:$0x8080] =	vst v63  }
0xce: {  	s0 =	smax.u32 s0, $0x1;
	_ =	swait.ge @!p0 [sflag:s25], $0x80  }
0xcf: {  	s30 =	simm.s32 @!p0 $0x1;
	s0 =	sadd.s32 $0xFFFFFFFF, s0;
	[sflag:s25] =	ssyncset.done @!p0 $0x0  }
0xd0: {  	s29 =	simm.s32 @!p0 $0x80;
	p1 =	sne.s32 s0, $0x0;
	[sflag:s25] =	ssyncadd.s32 @!p0 $0xFFFFFF80  }
0xd1: {  	[tilespmem:s29], [sflag:$0x1] =	stream.indirect.gather @!p0 [hbm4b:s4+s29], $0x80, s28, s29, $0xb8;
	[tilespmem:$0x8080] =	vst v63  }
.Ltmp0:
0xd2: {  	_ =	swait.ge @!p0 [sflag:s30], $0x4000;
	(pc) =	sbr.rel @!p1 .LBB2_2-.Ltmp0, $4  }
0xd3: {  	s1 =	sshll.u32 s31, $0xB;
	[sflag:s30] =	ssyncset.done @!p0 $0x0  }
0xd4: {  	s31 =	sadd.s32 s9, s1;
	[sflag:s30] =	ssyncadd.s32 @!p0 $0xFFFFC000  }
0xd5: {  	[hbm4b:s31+s28] =	stream.linear.scatter @!p0 [tilespmem:s29], [sflag:$0x3], $0x4000, $0x38;
	[tilespmem:$0x8080] =	vst v63  }
0xd6: {  	_ =	swait.ge @!p0 [sflag:s25], $0x4000  }
.LBB2_1:
0xd7: {  	[sflag:s25] =	ssyncset.done @!p0 $0x0  }
0xd8: {  	s1 =	rddreg [dreg:$0x3];
	[sflag:s25] =	ssyncadd.s32 @!p0 $0xFFFFC000  }
0xd9: {  	[tilespmem:s2], [sflag:$0x3] =	stream.linear.gather [hbm4b:s1+s2], $0x80, $0x38;
	[tilespmem:$0x8080] =	vst v63  }
0xda: {  	_ =	swait.ge [sflag:s3], $0x80  }
0xdb: {  	[sflag:s3] =	ssyncset.done $0x0  }
0xdc: {  	[sflag:s3] =	ssyncadd.s32 $0xFFFFFF80  }
0xdd: {  	[tilespmem:s5], [sflag:$0x1] =	stream.indirect.gather [hbm4b:s4+s5], $0x80, s2, s5, $0xb8;
	[tilespmem:$0x8080] =	vst v63  }
0xde: {  	_ =	swait.ge [sflag:s6], $0x4000  }
0xdf: {  	[sflag:s6] =	ssyncset.done $0x0  }
0xe0: {  	s1 =	rddreg [dreg:$0x4];
	[sflag:s6] =	ssyncadd.s32 $0xFFFFC000  }
0xe1: {  	[hbm4b:s1+s2] =	stream.linear.scatter [tilespmem:s5], [sflag:$0x2], $0x4000, $0x38;
	[tilespmem:$0x8080] =	vst v63  }
0xe2: {  	s9 =	rddreg [dreg:$0x5]  }
0xe3: {  	[tilespmem:s2], [sflag:$0x3] =	stream.linear.gather [hbm4b:s9+s2], $0x80, $0x38;
	[tilespmem:$0x8080] =	vst v63  }
0xe4: {  	_ =	swait.ge [sflag:s3], $0x80  }
0xe5: {  	[sflag:s3] =	ssyncset.done $0x0  }
0xe6: {  	[sflag:s3] =	ssyncadd.s32 $0xFFFFFF80  }
0xe7: {  	[tilespmem:s7], [sflag:$0x1] =	stream.indirect.gather [hbm4b:s4+s5], $0x80, s2, s5, $0xb8;
	[tilespmem:$0x8080] =	vst v63  }
0xe8: {  	_ =	swait.ge [sflag:s6], $0x4000  }
0xe9: {  	[sflag:s6] =	ssyncset.done $0x0  }
0xea: {  	s9 =	rddreg [dreg:$0x6];
	[sflag:s6] =	ssyncadd.s32 $0xFFFFC000  }
0xeb: {  	[hbm4b:s9+s2] =	stream.linear.scatter [tilespmem:s7], [sflag:$0x2], $0x4000, $0x38;
	[tilespmem:$0x8080] =	vst v63  }
0xec: {  	_ =	swait.ge [sflag:s8], $0x4000  }
0xed: {  	[sflag:s8] =	ssyncset.done $0x0  }
0xee: {  	s9 =	rddreg [dreg:$0x7];
	[sflag:s8] =	ssyncadd.s32 $0xFFFFC000  }
0xef: {  	[tilespmem:s2], [sflag:$0x3] =	stream.linear.gather [hbm4b:s9+s2], $0x80, $0x38;
	[tilespmem:$0x8080] =	vst v63  }
0xf0: {  	_ =	swait.ge [sflag:s3], $0x80  }
0xf1: {  	[sflag:s3] =	ssyncset.done $0x0  }
0xf2: {  	[sflag:s3] =	ssyncadd.s32 $0xFFFFFF80  }
0xf3: {  	[tilespmem:s5], [sflag:$0x1] =	stream.indirect.gather [hbm4b:s4+s5], $0x80, s2, s5, $0xb8;
	[tilespmem:$0x8080] =	vst v63  }
0xf4: {  	_ =	swait.ge [sflag:s6], $0x4000  }
0xf5: {  	[sflag:s6] =	ssyncset.done $0x0  }
0xf6: {  	s9 =	rddreg [dreg:$0x8];
	[sflag:s6] =	ssyncadd.s32 $0xFFFFC000  }
0xf7: {  	[hbm4b:s9+s2] =	stream.linear.scatter [tilespmem:s5], [sflag:$0x2], $0x4000, $0x38;
	[tilespmem:$0x8080] =	vst v63  }
0xf8: {  	_ =	swait.ge [sflag:s8], $0x4000  }
0xf9: {  	[sflag:s8] =	ssyncset.done $0x0  }
0xfa: {  	s9 =	rddreg [dreg:$0x9];
	[sflag:s8] =	ssyncadd.s32 $0xFFFFC000  }
0xfb: {  	[tilespmem:s2], [sflag:$0x3] =	stream.linear.gather [hbm4b:s9+s2], $0x80, $0x38;
	[tilespmem:$0x8080] =	vst v63  }
0xfc: {  	_ =	swait.ge [sflag:s3], $0x80  }
0xfd: {  	[sflag:s3] =	ssyncset.done $0x0  }
0xfe: {  	[sflag:s3] =	ssyncadd.s32 $0xFFFFFF80  }
0xff: {  	[tilespmem:s7], [sflag:$0x1] =	stream.indirect.gather [hbm4b:s4+s5], $0x80, s2, s5, $0xb8;
	[tilespmem:$0x8080] =	vst v63  }
0x100: {  	_ =	swait.ge [sflag:s6], $0x4000  }
0x101: {  	[sflag:s6] =	ssyncset.done $0x0  }
0x102: {  	s9 =	rddreg [dreg:$0xa];
	[sflag:s6] =	ssyncadd.s32 $0xFFFFC000  }
0x103: {  	[hbm4b:s9+s2] =	stream.linear.scatter [tilespmem:s7], [sflag:$0x2], $0x4000, $0x38;
	[tilespmem:$0x8080] =	vst v63  }
0x104: {  	_ =	swait.ge [sflag:s8], $0x4000  }
0x105: {  	[sflag:s8] =	ssyncset.done $0x0  }
0x106: {  	s9 =	rddreg [dreg:$0xb];
	[sflag:s8] =	ssyncadd.s32 $0xFFFFC000  }
0x107: {  	[tilespmem:s2], [sflag:$0x3] =	stream.linear.gather [hbm4b:s9+s2], $0x80, $0x38;
	[tilespmem:$0x8080] =	vst v63  }
0x108: {  	_ =	swait.ge [sflag:s3], $0x80  }
0x109: {  	[sflag:s3] =	ssyncset.done $0x0  }
0x10a: {  	[sflag:s3] =	ssyncadd.s32 $0xFFFFFF80  }
0x10b: {  	[tilespmem:s5], [sflag:$0x1] =	stream.indirect.gather [hbm4b:s4+s5], $0x80, s2, s5, $0xb8;
	[tilespmem:$0x8080] =	vst v63  }
0x10c: {  	_ =	swait.ge [sflag:s6], $0x4000  }
0x10d: {  	[sflag:s6] =	ssyncset.done $0x0  }
0x10e: {  	s9 =	rddreg [dreg:$0xc];
	[sflag:s6] =	ssyncadd.s32 $0xFFFFC000  }
0x10f: {  	[hbm4b:s9+s2] =	stream.linear.scatter [tilespmem:s5], [sflag:$0x2], $0x4000, $0x38;
	[tilespmem:$0x8080] =	vst v63  }
0x110: {  	_ =	swait.ge [sflag:s8], $0x4000  }
0x111: {  	[sflag:s8] =	ssyncset.done $0x0  }
0x112: {  	s9 =	rddreg [dreg:$0xd];
	[sflag:s8] =	ssyncadd.s32 $0xFFFFC000  }
0x113: {  	[tilespmem:s2], [sflag:$0x3] =	stream.linear.gather [hbm4b:s9+s2], $0x80, $0x38;
	[tilespmem:$0x8080] =	vst v63  }
0x114: {  	_ =	swait.ge [sflag:s3], $0x80  }
0x115: {  	[sflag:s3] =	ssyncset.done $0x0  }
0x116: {  	[sflag:s3] =	ssyncadd.s32 $0xFFFFFF80  }
0x117: {  	[tilespmem:s7], [sflag:$0x1] =	stream.indirect.gather [hbm4b:s4+s5], $0x80, s2, s5, $0xb8;
	[tilespmem:$0x8080] =	vst v63  }
0x118: {  	_ =	swait.ge [sflag:s6], $0x4000  }
0x119: {  	[sflag:s6] =	ssyncset.done $0x0  }
0x11a: {  	s9 =	rddreg [dreg:$0xe];
	[sflag:s6] =	ssyncadd.s32 $0xFFFFC000  }
0x11b: {  	[hbm4b:s9+s2] =	stream.linear.scatter [tilespmem:s7], [sflag:$0x2], $0x4000, $0x38;
	[tilespmem:$0x8080] =	vst v63  }
0x11c: {  	_ =	swait.ge [sflag:s8], $0x4000  }
0x11d: {  	[sflag:s8] =	ssyncset.done $0x0  }
0x11e: {  	s9 =	rddreg [dreg:$0xf];
	[sflag:s8] =	ssyncadd.s32 $0xFFFFC000  }
0x11f: {  	[tilespmem:s2], [sflag:$0x3] =	stream.linear.gather [hbm4b:s9+s2], $0x80, $0x38;
	[tilespmem:$0x8080] =	vst v63  }
0x120: {  	_ =	swait.ge [sflag:s3], $0x80  }
0x121: {  	[sflag:s3] =	ssyncset.done $0x0  }
0x122: {  	[sflag:s3] =	ssyncadd.s32 $0xFFFFFF80  }
0x123: {  	[tilespmem:s5], [sflag:$0x1] =	stream.indirect.gather [hbm4b:s4+s5], $0x80, s2, s5, $0xb8;
	[tilespmem:$0x8080] =	vst v63  }
0x124: {  	_ =	swait.ge [sflag:s6], $0x4000  }
0x125: {  	[sflag:s6] =	ssyncset.done $0x0  }
0x126: {  	s9 =	rddreg [dreg:$0x10];
	[sflag:s6] =	ssyncadd.s32 $0xFFFFC000  }
0x127: {  	[hbm4b:s9+s2] =	stream.linear.scatter [tilespmem:s5], [sflag:$0x2], $0x4000, $0x38;
	[tilespmem:$0x8080] =	vst v63  }
0x128: {  	_ =	swait.ge [sflag:s8], $0x4000  }
0x129: {  	[sflag:s8] =	ssyncset.done $0x0  }
0x12a: {  	s9 =	rddreg [dreg:$0x11];
	[sflag:s8] =	ssyncadd.s32 $0xFFFFC000  }
0x12b: {  	[tilespmem:s2], [sflag:$0x3] =	stream.linear.gather [hbm4b:s9+s2], $0x80, $0x38;
	[tilespmem:$0x8080] =	vst v63  }
0x12c: {  	_ =	swait.ge [sflag:s3], $0x80  }
0x12d: {  	[sflag:s3] =	ssyncset.done $0x0  }
0x12e: {  	[sflag:s3] =	ssyncadd.s32 $0xFFFFFF80  }
0x12f: {  	[tilespmem:s7], [sflag:$0x1] =	stream.indirect.gather [hbm4b:s4+s5], $0x80, s2, s5, $0xb8;
	[tilespmem:$0x8080] =	vst v63  }
0x130: {  	_ =	swait.ge [sflag:s6], $0x4000  }
0x131: {  	[sflag:s6] =	ssyncset.done $0x0  }
0x132: {  	[sflag:s6] =	ssyncadd.s32 $0xFFFFC000  }
0x133: {  	[hbm4b:s10+s2] =	stream.linear.scatter [tilespmem:s7], [sflag:$0x2], $0x4000, $0x38;
	[tilespmem:$0x8080] =	vst v63  }
0x134: {  	_ =	swait.ge [sflag:s8], $0x4000  }
0x135: {  	[sflag:s8] =	ssyncset.done $0x0  }
0x136: {  	[sflag:s8] =	ssyncadd.s32 $0xFFFFC000  }
0x137: {  	[tilespmem:s2], [sflag:$0x3] =	stream.linear.gather [hbm4b:s11+s2], $0x80, $0x38;
	[tilespmem:$0x8080] =	vst v63  }
0x138: {  	_ =	swait.ge [sflag:s3], $0x80  }
0x139: {  	[sflag:s3] =	ssyncset.done $0x0  }
0x13a: {  	[sflag:s3] =	ssyncadd.s32 $0xFFFFFF80  }
0x13b: {  	[tilespmem:s5], [sflag:$0x1] =	stream.indirect.gather [hbm4b:s4+s5], $0x80, s2, s5, $0xb8;
	[tilespmem:$0x8080] =	vst v63  }
0x13c: {  	_ =	swait.ge [sflag:s6], $0x4000  }
0x13d: {  	[sflag:s6] =	ssyncset.done $0x0  }
0x13e: {  	[sflag:s6] =	ssyncadd.s32 $0xFFFFC000  }
0x13f: {  	[hbm4b:s12+s2] =	stream.linear.scatter [tilespmem:s5], [sflag:$0x2], $0x4000, $0x38;
	[tilespmem:$0x8080] =	vst v63  }
0x140: {  	_ =	swait.ge [sflag:s8], $0x4000  }
0x141: {  	[sflag:s8] =	ssyncset.done $0x0  }
0x142: {  	[sflag:s8] =	ssyncadd.s32 $0xFFFFC000  }
0x143: {  	[tilespmem:s2], [sflag:$0x3] =	stream.linear.gather [hbm4b:s13+s2], $0x80, $0x38;
	[tilespmem:$0x8080] =	vst v63  }
0x144: {  	_ =	swait.ge [sflag:s3], $0x80  }
0x145: {  	[sflag:s3] =	ssyncset.done $0x0  }
0x146: {  	[sflag:s3] =	ssyncadd.s32 $0xFFFFFF80  }
0x147: {  	[tilespmem:s7], [sflag:$0x1] =	stream.indirect.gather [hbm4b:s4+s5], $0x80, s2, s5, $0xb8;
	[tilespmem:$0x8080] =	vst v63  }
0x148: {  	_ =	swait.ge [sflag:s6], $0x4000  }
0x149: {  	[sflag:s6] =	ssyncset.done $0x0  }
0x14a: {  	[sflag:s6] =	ssyncadd.s32 $0xFFFFC000  }
0x14b: {  	[hbm4b:s14+s2] =	stream.linear.scatter [tilespmem:s7], [sflag:$0x2], $0x4000, $0x38;
	[tilespmem:$0x8080] =	vst v63  }
0x14c: {  	_ =	swait.ge [sflag:s8], $0x4000  }
0x14d: {  	[sflag:s8] =	ssyncset.done $0x0  }
0x14e: {  	[sflag:s8] =	ssyncadd.s32 $0xFFFFC000  }
0x14f: {  	[tilespmem:s2], [sflag:$0x3] =	stream.linear.gather [hbm4b:s15+s2], $0x80, $0x38;
	[tilespmem:$0x8080] =	vst v63  }
0x150: {  	_ =	swait.ge [sflag:s3], $0x80  }
0x151: {  	[sflag:s3] =	ssyncset.done $0x0  }
0x152: {  	[sflag:s3] =	ssyncadd.s32 $0xFFFFFF80  }
0x153: {  	[tilespmem:s5], [sflag:$0x1] =	stream.indirect.gather [hbm4b:s4+s5], $0x80, s2, s5, $0xb8;
	[tilespmem:$0x8080] =	vst v63  }
0x154: {  	_ =	swait.ge [sflag:s6], $0x4000  }
0x155: {  	[sflag:s6] =	ssyncset.done $0x0  }
0x156: {  	[sflag:s6] =	ssyncadd.s32 $0xFFFFC000  }
0x157: {  	[hbm4b:s16+s2] =	stream.linear.scatter [tilespmem:s5], [sflag:$0x2], $0x4000, $0x38;
	[tilespmem:$0x8080] =	vst v63  }
0x158: {  	_ =	swait.ge [sflag:s8], $0x4000  }
0x159: {  	[sflag:s8] =	ssyncset.done $0x0  }
0x15a: {  	[sflag:s8] =	ssyncadd.s32 $0xFFFFC000  }
0x15b: {  	[tilespmem:s2], [sflag:$0x3] =	stream.linear.gather [hbm4b:s17+s2], $0x80, $0x38;
	[tilespmem:$0x8080] =	vst v63  }
0x15c: {  	_ =	swait.ge [sflag:s3], $0x80  }
0x15d: {  	[sflag:s3] =	ssyncset.done $0x0  }
0x15e: {  	[sflag:s3] =	ssyncadd.s32 $0xFFFFFF80  }
0x15f: {  	[tilespmem:s7], [sflag:$0x1] =	stream.indirect.gather [hbm4b:s4+s5], $0x80, s2, s5, $0xb8;
	[tilespmem:$0x8080] =	vst v63  }
0x160: {  	_ =	swait.ge [sflag:s6], $0x4000  }
0x161: {  	[sflag:s6] =	ssyncset.done $0x0  }
0x162: {  	[sflag:s6] =	ssyncadd.s32 $0xFFFFC000  }
0x163: {  	[hbm4b:s18+s2] =	stream.linear.scatter [tilespmem:s7], [sflag:$0x2], $0x4000, $0x38;
	[tilespmem:$0x8080] =	vst v63  }
0x164: {  	_ =	swait.ge [sflag:s8], $0x4000  }
0x165: {  	[sflag:s8] =	ssyncset.done $0x0  }
0x166: {  	[sflag:s8] =	ssyncadd.s32 $0xFFFFC000  }
0x167: {  	[tilespmem:s2], [sflag:$0x3] =	stream.linear.gather [hbm4b:s19+s2], $0x80, $0x38;
	[tilespmem:$0x8080] =	vst v63  }
0x168: {  	_ =	swait.ge [sflag:s3], $0x80  }
0x169: {  	[sflag:s3] =	ssyncset.done $0x0  }
0x16a: {  	[sflag:s3] =	ssyncadd.s32 $0xFFFFFF80  }
0x16b: {  	[tilespmem:s5], [sflag:$0x1] =	stream.indirect.gather [hbm4b:s4+s5], $0x80, s2, s5, $0xb8;
	[tilespmem:$0x8080] =	vst v63  }
0x16c: {  	_ =	swait.ge [sflag:s6], $0x4000  }
0x16d: {  	[sflag:s6] =	ssyncset.done $0x0  }
0x16e: {  	[sflag:s6] =	ssyncadd.s32 $0xFFFFC000  }
0x16f: {  	[hbm4b:s20+s2] =	stream.linear.scatter [tilespmem:s5], [sflag:$0x2], $0x4000, $0x38;
	[tilespmem:$0x8080] =	vst v63  }
0x170: {  	_ =	swait.ge [sflag:s8], $0x4000  }
0x171: {  	[sflag:s8] =	ssyncset.done $0x0  }
0x172: {  	[sflag:s8] =	ssyncadd.s32 $0xFFFFC000  }
0x173: {  	[tilespmem:s2], [sflag:$0x3] =	stream.linear.gather [hbm4b:s21+s2], $0x80, $0x38;
	[tilespmem:$0x8080] =	vst v63  }
0x174: {  	_ =	swait.ge [sflag:s3], $0x80  }
0x175: {  	[sflag:s3] =	ssyncset.done $0x0  }
0x176: {  	[sflag:s3] =	ssyncadd.s32 $0xFFFFFF80  }
0x177: {  	[tilespmem:s7], [sflag:$0x1] =	stream.indirect.gather [hbm4b:s4+s5], $0x80, s2, s5, $0xb8;
	[tilespmem:$0x8080] =	vst v63  }
0x178: {  	_ =	swait.ge [sflag:s6], $0x4000  }
0x179: {  	[sflag:s6] =	ssyncset.done $0x0  }
0x17a: {  	[sflag:s6] =	ssyncadd.s32 $0xFFFFC000  }
0x17b: {  	[hbm4b:s22+s2] =	stream.linear.scatter [tilespmem:s7], [sflag:$0x2], $0x4000, $0x38;
	[tilespmem:$0x8080] =	vst v63  }
0x17c: {  	_ =	swait.ge [sflag:s8], $0x4000  }
0x17d: {  	[sflag:s8] =	ssyncset.done $0x0  }
0x17e: {  	[sflag:s8] =	ssyncadd.s32 $0xFFFFC000  }
0x17f: {  	[tilespmem:s2], [sflag:$0x3] =	stream.linear.gather [hbm4b:s23+s2], $0x80, $0x38;
	[tilespmem:$0x8080] =	vst v63  }
0x180: {  	_ =	swait.ge [sflag:s3], $0x80  }
0x181: {  	[sflag:s3] =	ssyncset.done $0x0  }
0x182: {  	[sflag:s3] =	ssyncadd.s32 $0xFFFFFF80  }
0x183: {  	[tilespmem:s5], [sflag:$0x1] =	stream.indirect.gather [hbm4b:s4+s5], $0x80, s2, s5, $0xb8;
	[tilespmem:$0x8080] =	vst v63  }
0x184: {  	_ =	swait.ge [sflag:s6], $0x4000  }
0x185: {  	[sflag:s6] =	ssyncset.done $0x0  }
0x186: {  	[sflag:s6] =	ssyncadd.s32 $0xFFFFC000  }
0x187: {  	[hbm4b:s24+s2] =	stream.linear.scatter [tilespmem:s5], [sflag:$0x2], $0x4000, $0x38;
	[tilespmem:$0x8080] =	vst v63  }
0x188: {  	_ =	swait.ge [sflag:s8], $0x4000  }
0x189: {  	[sflag:s8] =	ssyncset.done $0x0  }
0x18a: {  	[sflag:s8] =	ssyncadd.s32 $0xFFFFC000  }
0x18b: {  	_ =	swait.ge [sflag:s8], $0x4000  }
0x18c: {  	[sflag:s8] =	ssyncset.done $0x0  }
0x18d: {  	[sflag:s8] =	ssyncadd.s32 $0xFFFFC000  }
0x18e: {  	[tilespmem:s28], [sflag:$0x3] =	stream.linear.gather @!p0 [hbm4b:s26+s28], $0x80, $0x38;
	[tilespmem:$0x8080] =	vst v63  }
0x18f: {  	_ =	swait.ge @!p0 [sflag:s25], $0x80  }
0x190: {  	s0 =	sadd.s32 $0xFFFFFFFF, s0;
	[sflag:s25] =	ssyncset.done @!p0 $0x0  }
0x191: {  	p1 =	sne.s32 s0, $0x0;
	[sflag:s25] =	ssyncadd.s32 @!p0 $0xFFFFFF80  }
0x192: {  	[tilespmem:s29], [sflag:$0x1] =	stream.indirect.gather @!p0 [hbm4b:s4+s29], $0x80, s28, s29, $0xb8;
	[tilespmem:$0x8080] =	vst v63  }
.Ltmp1:
0x193: {  	_ =	swait.ge @!p0 [sflag:s30], $0x4000;
	(pc) =	sbr.rel @p1 .LBB2_1-.Ltmp1, $4  }
0x194: {  	[sflag:s30] =	ssyncset.done @!p0 $0x0  }
0x195: {  	[sflag:s30] =	ssyncadd.s32 @!p0 $0xFFFFC000  }
0x196: {  	[hbm4b:s31+s28] =	stream.linear.scatter @!p0 [tilespmem:s29], [sflag:$0x3], $0x4000, $0x38;
	[tilespmem:$0x8080] =	vst v63  }
0x197: {  	_ =	swait.ge @!p0 [sflag:s25], $0x4000  }
.LBB2_2:
0x198: {  	[sflag:s25] =	ssyncset.done @!p0 $0x0  }
0x199: {  	[sflag:s25] =	ssyncadd.s32 @!p0 $0xFFFFC000  }
0x19a: {  	_ =	sfence.sel $0x180000  }
0x19b: {  	[bflag:$0x0] =	sbarrier.arrive $0xFFFF  }
0x19c: {  	_ =	strace $0x90000047  }
0x19d: {  	s0 =	stileid.u32;
	[bflag:$0x2] =	sbarrier.arrive $0xFFFF  }
0x19e: {  	p0 =	sne.s32 s0, $0x0;
	s0 =	rddreg [dreg:$0x2]  }
0x19f: {  	s0 =	sadd.s32 @!p0 $0x100000, s0  }
0x1a0: {  	[sflag:s0] =	ssyncadd.tile.s32 @!p0 $0x1;
	_ =	shalt  }
.Lfunc_end2:
_tile_overlayer_lowered:
.L_overlay_start_2:
0x1a1: {  	(tag) =	ssettag $0x2  }
0x1a2: {  	s0 =	rddreg [dreg:$0x0];
	s2 =	stileid.u32  }
0x1a3: {  	s1 =	rddreg [dreg:$0x1];
	p0 =	sne.s32 s2, $0x0  }
0x1a4: {  	s3 =	rddreg [dreg:$0x2];
	[bflag:$0x3] =	sbarrier.arrive $0xFFFF;
	s2 =	simm.s32 @!p0 $0x1C03  }
0x1a5: {  	[timem:s3], [sflag:s2] =	dma.local @!p0 [hbm:s0], s1  }
0x1a6: {  	s0 =	simm.s32 @!p0 $0x3  }
0x1a7: {  	_ =	swait.ge @!p0 [sflag:s0], s1  }
0x1a8: {  	s1 =	ssub.s32 @!p0 $0x0, s1;
	[sflag:s0] =	ssyncset.done @!p0 $0x0  }
0x1a9: {  	[sflag:s0] =	ssyncadd.s32 @!p0 s1  }
0x1aa: {  	[bflag:$0x3] =	sbarrier.arrive $0xFFFF  }
0x1ab: {  	_ =	shalt  }

</sc_bundles>
